<compile_context>
chip_gen: v7x
topology: tpu7x:2x2x1
jax: 0.10.2.dev20260603
libtpu: 0.0.44.dev20260713+nightly
codegen_flags: <defaults>
</compile_context>

<pallas_src>
import functools

import jax
import jax.numpy as jnp
from jax import lax
from jax.experimental import pallas as pl
from jax.experimental.pallas import tpu as pltpu
from jax.experimental.pallas import tpu_sc as plsc

VOCAB = 1000000
N_EMBD = 64
BATCH = 4096
HIST = 200

NTOK = BATCH * HIST
NW = 32
TPW = NTOK // NW
G = 640
NCHUNK = TPW // G
NCG = NTOK // G

_mesh = plsc.VectorSubcoreMesh(core_axis_name="c", subcore_axis_name="s")

NBLK = VOCAB // 128
VTAIL = VOCAB - NBLK * 128
BLK_ITERS = (NBLK + NW - 1) // NW


@functools.partial(
    pl.kernel,
    out_type=jax.ShapeDtypeStruct((VOCAB // 2, 128), jnp.float32),
    mesh=_mesh,
    scratch_types=[
        pltpu.VMEM((128, N_EMBD), jnp.float32),
        pltpu.VMEM((N_EMBD, 128), jnp.float32),
    ],
    compiler_params=pltpu.CompilerParams(needs_layout_passes=False),
)
def _pack_rows(wc_hbm, tail_hbm, out_hbm, stage_v, pack_v):
    wid = lax.axis_index("s") * 2 + lax.axis_index("c")

    def body(k, carry):
        t = wid + NW * k

        @pl.when(t < NBLK)
        def _():
            pltpu.sync_copy(wc_hbm.at[pl.ds(t * 128, 128)], stage_v)

            @plsc.parallel_loop(0, 64, unroll=8)
            def _(q):
                for h in range(2):
                    for jj in range(4):
                        pack_v[q, pl.ds(h * N_EMBD + 16 * jj, 16)] = stage_v[
                            2 * q + h, pl.ds(16 * jj, 16)
                        ]

            pltpu.sync_copy(pack_v, out_hbm.at[pl.ds(t * 64, 64)])

        return carry

    lax.fori_loop(0, BLK_ITERS, body, 0)

    @pl.when(wid == 0)
    def _():
        pltpu.sync_copy(tail_hbm, pack_v.at[pl.ds(0, VTAIL // 2)])
        pltpu.sync_copy(
            pack_v.at[pl.ds(0, VTAIL // 2)],
            out_hbm.at[pl.ds(NBLK * 64, VTAIL // 2)],
        )


@functools.partial(
    pl.kernel,
    out_type=jax.ShapeDtypeStruct((NCG, G, 2 * N_EMBD), jnp.float32),
    mesh=_mesh,
    scratch_types=[
        pltpu.VMEM((1, TPW), jnp.int32),
        pltpu.VMEM((G, N_EMBD), jnp.float32),
        pltpu.VMEM((G, N_EMBD), jnp.float32),
        pltpu.SemaphoreType.DMA,
        pltpu.SemaphoreType.DMA,
        pltpu.SemaphoreType.DMA,
        pltpu.SemaphoreType.DMA,
    ],
    compiler_params=pltpu.CompilerParams(use_tc_tiling_on_sc=False),
)
def _emb_lookup(x_hbm, w_hbm, out_hbm, idx_v, rows0, rows1, sg0, sg1, so0, so1):
    wid = lax.axis_index("s") * 2 + lax.axis_index("c")
    base0 = wid * NCHUNK

    pltpu.sync_copy(x_hbm.at[wid], idx_v)

    rows = (rows0, rows1)
    sg = (sg0, sg1)
    so = (so0, so1)

    def fire_gather(c, slot):
        pltpu.async_copy(
            w_hbm.at[idx_v.at[0, pl.ds(c * G, G)]], rows[slot], sg[slot]
        )

    def drain_gather(slot):
        pltpu.make_async_copy(
            w_hbm.at[idx_v.at[0, pl.ds(0, G)]], rows[slot], sg[slot]
        ).wait()

    def out_slice(c):
        return out_hbm.at[base0 + c, :, pl.ds(0, N_EMBD)]

    def drain_out(slot):
        pltpu.make_async_copy(rows[slot], out_slice(0), so[slot]).wait()

    fire_gather(0, 0)

    def body(i, carry):
        for b in range(2):
            c = 2 * i + b
            nxt = 1 - b
            @pl.when(c >= 1)
            def _():
                drain_out(nxt)

            @pl.when(c + 1 < NCHUNK)
            def _():
                fire_gather(c + 1, nxt)

            drain_gather(b)
            pltpu.async_copy(rows[b], out_slice(c), so[b])
        return carry

    lax.fori_loop(0, NCHUNK // 2, body, 0)
    drain_out(1)


def kernel(x, W):
    tail_packed = W[VOCAB - VTAIL :].reshape(VTAIL // 2, 128)
    w_packed = _pack_rows(W, tail_packed)
    w_flat = w_packed.reshape(VOCAB, N_EMBD)
    x2 = x.astype(jnp.int32).reshape(NW, 1, TPW)
    out = _emb_lookup(x2, w_flat)
    return out.reshape(NTOK, 2 * N_EMBD)[:, :N_EMBD].reshape(
        BATCH, HIST, N_EMBD
    )

# --- scband reference (transcript-rebuilt; emitter-appended) ---
"""Pipeline reference for scband-embedding-77833397338301 (READ-ONLY COPY).

The authoritative reference and input builder live on the scoring server;
editing this copy changes nothing except your own understanding.
"""

import jax, jax.numpy as jnp
import numpy as np

VOCAB = 1000000
N_EMBD = 64
BATCH = 4096
HIST = 200

def setup_inputs(seed: int = 0) -> dict:
    key = jax.random.key(seed)
    k_idx, k_w = jax.random.split(key)
    x = jax.random.randint(k_idx, (BATCH, HIST), 0, VOCAB, dtype=jnp.int64 if jax.config.jax_enable_x64 else jnp.int32)
    base_scale = N_EMBD ** (-0.5)
    W = jax.random.normal(k_w, (VOCAB, N_EMBD), dtype=jnp.float32) * base_scale
    return {"x": x, "W": W}

def reference(x, W):
    # tok_emb(x): embedding gather. Dropout is identity in eval mode.
    out = jnp.take(W, x, axis=0)
    return out

if __name__ == "__main__":
    import jax
    _d = setup_inputs()
    print(jax.jit(kernel)(*tuple(_d.values())))

</pallas_src>

<mosaic_0001>
#map = affine_map<(d0, d1) -> (0, 0)>
module attributes {stable_mosaic.version = 14 : i64} {
  func.func @_pack_rows(%arg0: i32, %arg1: i32, %arg2: memref<1000000x64xf32, #tpu.memory_space<hbm>>, %arg3: memref<32x128xf32, #tpu.memory_space<hbm>>, %arg4: memref<500000x128xf32, #tpu.memory_space<hbm>>, %arg5: memref<128x64xf32, #tpu.memory_space<vmem>>, %arg6: memref<64x128xf32, #tpu.memory_space<vmem>>) attributes {dimension_semantics = [#tpu.dimension_semantics<core_parallel>, #tpu.dimension_semantics<subcore_parallel>], iteration_bounds = array<i64: 2, 16>, scalar_prefetch = 0 : i64, scratch_operands = 2 : i64, tpu.core_type = #tpu.core_type<sc_vector_subcore>, window_params = [{transform_indices = #map}, {transform_indices = #map}, {transform_indices = #map}]} {
    %mul3A = arith.constant 2 : i32
    %mul3A_0 = arith.muli %arg1, %mul3A : i32
    %add3A = arith.addi %mul3A_0, %arg0 : i32
    %scan3A = arith.constant 0 : i32
    %scan3A_1 = arith.constant 0 : i32
    %scan3A_2 = arith.constant 245 : i32
    %scan3A_3 = arith.addi %scan3A_1, %scan3A_2 : i32
    %scan3A_4 = arith.constant 1 : i32
    scf.for %scan3A_8 = %scan3A_1 to %scan3A_3 step %scan3A_4  : i32 {
      %mul3A_9 = arith.constant 32 : i32
      %mul3A_10 = arith.muli %mul3A_9, %scan3A_8 : i32
      %add3A_11 = arith.addi %add3A, %mul3A_10 : i32
      %lt3A = arith.constant 7812 : i32
      %lt3A_12 = arith.cmpi slt, %add3A_11, %lt3A : i32
      %convert_element_type3A_13 = arith.extui %lt3A_12 : i1 to i32
      %cond3A_14 = arith.constant 0 : i32
      %cond3A_15 = arith.cmpi ne, %convert_element_type3A_13, %cond3A_14 : i32
      scf.if %cond3A_15 {
        %mul3A_16 = arith.constant 128 : i32
        %mul3A_17 = arith.muli %add3A_11, %mul3A_16 : i32
        "tpu.region"() ({
          %run_scoped3A = tpu.sem_alloc : memref<!tpu.dma_semaphore, #tpu.memory_space<semaphore_mem>>
          %dma_start3A = arith.constant 0 : i32
          %dma_start3A_22 = tpu.memref_slice %arg2[%mul3A_17, %dma_start3A] : memref<1000000x64xf32, #tpu.memory_space<hbm>> -> memref<128x64xf32, #tpu.memory_space<hbm>>
          %dma_start3A_23 = arith.constant 0 : i32
          %dma_start3A_24 = tpu.memref_slice %arg2[%mul3A_17, %dma_start3A_23] : memref<1000000x64xf32, #tpu.memory_space<hbm>> -> memref<128x64xf32, #tpu.memory_space<hbm>>
          tpu.enqueue_dma source(%dma_start3A_24 : memref<128x64xf32, #tpu.memory_space<hbm>>) target(%arg5 : memref<128x64xf32, #tpu.memory_space<vmem>>) target_semaphore(%run_scoped3A : memref<!tpu.dma_semaphore, #tpu.memory_space<semaphore_mem>>)
          %dma_wait3A = arith.constant 0 : i32
          %dma_wait3A_25 = tpu.memref_slice %arg2[%mul3A_17, %dma_wait3A] : memref<1000000x64xf32, #tpu.memory_space<hbm>> -> memref<128x64xf32, #tpu.memory_space<hbm>>
          %dma_wait3A_26 = arith.constant 0 : i32
          %dma_wait3A_27 = tpu.memref_slice %arg2[%mul3A_17, %dma_wait3A_26] : memref<1000000x64xf32, #tpu.memory_space<hbm>> -> memref<128x64xf32, #tpu.memory_space<hbm>>
          tpu.wait_dma2 semaphore(%run_scoped3A : memref<!tpu.dma_semaphore, #tpu.memory_space<semaphore_mem>>) src(%dma_wait3A_27 : memref<128x64xf32, #tpu.memory_space<hbm>>) dst(%arg5 : memref<128x64xf32, #tpu.memory_space<vmem>>)
          tpu.yield
        }) : () -> ()
        %parallel_loop3A = arith.constant 0 : i32
        %parallel_loop3A_18 = arith.constant 64 : i32
        %parallel_loop3A_19 = arith.constant 1 : i32
        scf.for %parallel_loop3A_22 = %parallel_loop3A to %parallel_loop3A_18 step %parallel_loop3A_19  : i32 {
          %parallel_loop3A_23 = arith.constant 2 : i32
          %parallel_loop3A_24 = arith.muli %parallel_loop3A_23, %parallel_loop3A_22 : i32
          %parallel_loop3A_25 = arith.constant 0 : i32
          %parallel_loop3A_26 = arith.addi %parallel_loop3A_24, %parallel_loop3A_25 : i32
          %parallel_loop3A_27 = arith.index_cast %parallel_loop3A_26 : i32 to index
          %parallel_loop3A_28 = arith.constant 0 : index
          %parallel_loop3A_29 = tpu.vector_load %arg5[%parallel_loop3A_27, %parallel_loop3A_28] {strides = array<i32>} : memref<128x64xf32, #tpu.memory_space<vmem>>, vector<16xf32>,
          %parallel_loop3A_30 = arith.index_cast %parallel_loop3A_22 : i32 to index
          %parallel_loop3A_31 = arith.constant 0 : index
          %parallel_loop3A_32 = tpu.vector_load %arg6[%parallel_loop3A_30, %parallel_loop3A_31] {strides = array<i32>} : memref<64x128xf32, #tpu.memory_space<vmem>>, vector<16xf32>,
          tpu.vector_store %arg6[%parallel_loop3A_30, %parallel_loop3A_31], %parallel_loop3A_29 {strides = array<i32>} : memref<64x128xf32, #tpu.memory_space<vmem>>, vector<16xf32>,
          %parallel_loop3A_33 = arith.constant 2 : i32
          %parallel_loop3A_34 = arith.muli %parallel_loop3A_33, %parallel_loop3A_22 : i32
          %parallel_loop3A_35 = arith.constant 0 : i32
          %parallel_loop3A_36 = arith.addi %parallel_loop3A_34, %parallel_loop3A_35 : i32
          %parallel_loop3A_37 = arith.index_cast %parallel_loop3A_36 : i32 to index
          %parallel_loop3A_38 = arith.constant 16 : index
          %parallel_loop3A_39 = tpu.vector_load %arg5[%parallel_loop3A_37, %parallel_loop3A_38] {strides = array<i32>} : memref<128x64xf32, #tpu.memory_space<vmem>>, vector<16xf32>,
          %parallel_loop3A_40 = arith.index_cast %parallel_loop3A_22 : i32 to index
          %parallel_loop3A_41 = arith.constant 16 : index
          %parallel_loop3A_42 = tpu.vector_load %arg6[%parallel_loop3A_40, %parallel_loop3A_41] {strides = array<i32>} : memref<64x128xf32, #tpu.memory_space<vmem>>, vector<16xf32>,
          tpu.vector_store %arg6[%parallel_loop3A_40, %parallel_loop3A_41], %parallel_loop3A_39 {strides = array<i32>} : memref<64x128xf32, #tpu.memory_space<vmem>>, vector<16xf32>,
          %parallel_loop3A_43 = arith.constant 2 : i32
          %parallel_loop3A_44 = arith.muli %parallel_loop3A_43, %parallel_loop3A_22 : i32
          %parallel_loop3A_45 = arith.constant 0 : i32
          %parallel_loop3A_46 = arith.addi %parallel_loop3A_44, %parallel_loop3A_45 : i32
          %parallel_loop3A_47 = arith.index_cast %parallel_loop3A_46 : i32 to index
          %parallel_loop3A_48 = arith.constant 32 : index
          %parallel_loop3A_49 = tpu.vector_load %arg5[%parallel_loop3A_47, %parallel_loop3A_48] {strides = array<i32>} : memref<128x64xf32, #tpu.memory_space<vmem>>, vector<16xf32>,
          %parallel_loop3A_50 = arith.index_cast %parallel_loop3A_22 : i32 to index
          %parallel_loop3A_51 = arith.constant 32 : index
          %parallel_loop3A_52 = tpu.vector_load %arg6[%parallel_loop3A_50, %parallel_loop3A_51] {strides = array<i32>} : memref<64x128xf32, #tpu.memory_space<vmem>>, vector<16xf32>,
          tpu.vector_store %arg6[%parallel_loop3A_50, %parallel_loop3A_51], %parallel_loop3A_49 {strides = array<i32>} : memref<64x128xf32, #tpu.memory_space<vmem>>, vector<16xf32>,
          %parallel_loop3A_53 = arith.constant 2 : i32
          %parallel_loop3A_54 = arith.muli %parallel_loop3A_53, %parallel_loop3A_22 : i32
          %parallel_loop3A_55 = arith.constant 0 : i32
          %parallel_loop3A_56 = arith.addi %parallel_loop3A_54, %parallel_loop3A_55 : i32
          %parallel_loop3A_57 = arith.index_cast %parallel_loop3A_56 : i32 to index
          %parallel_loop3A_58 = arith.constant 48 : index
          %parallel_loop3A_59 = tpu.vector_load %arg5[%parallel_loop3A_57, %parallel_loop3A_58] {strides = array<i32>} : memref<128x64xf32, #tpu.memory_space<vmem>>, vector<16xf32>,
          %parallel_loop3A_60 = arith.index_cast %parallel_loop3A_22 : i32 to index
          %parallel_loop3A_61 = arith.constant 48 : index
          %parallel_loop3A_62 = tpu.vector_load %arg6[%parallel_loop3A_60, %parallel_loop3A_61] {strides = array<i32>} : memref<64x128xf32, #tpu.memory_space<vmem>>, vector<16xf32>,
          tpu.vector_store %arg6[%parallel_loop3A_60, %parallel_loop3A_61], %parallel_loop3A_59 {strides = array<i32>} : memref<64x128xf32, #tpu.memory_space<vmem>>, vector<16xf32>,
          %parallel_loop3A_63 = arith.constant 2 : i32
          %parallel_loop3A_64 = arith.muli %parallel_loop3A_63, %parallel_loop3A_22 : i32
          %parallel_loop3A_65 = arith.constant 1 : i32
          %parallel_loop3A_66 = arith.addi %parallel_loop3A_64, %parallel_loop3A_65 : i32
          %parallel_loop3A_67 = arith.index_cast %parallel_loop3A_66 : i32 to index
          %parallel_loop3A_68 = arith.constant 0 : index
          %parallel_loop3A_69 = tpu.vector_load %arg5[%parallel_loop3A_67, %parallel_loop3A_68] {strides = array<i32>} : memref<128x64xf32, #tpu.memory_space<vmem>>, vector<16xf32>,
          %parallel_loop3A_70 = arith.index_cast %parallel_loop3A_22 : i32 to index
          %parallel_loop3A_71 = arith.constant 64 : index
          %parallel_loop3A_72 = tpu.vector_load %arg6[%parallel_loop3A_70, %parallel_loop3A_71] {strides = array<i32>} : memref<64x128xf32, #tpu.memory_space<vmem>>, vector<16xf32>,
          tpu.vector_store %arg6[%parallel_loop3A_70, %parallel_loop3A_71], %parallel_loop3A_69 {strides = array<i32>} : memref<64x128xf32, #tpu.memory_space<vmem>>, vector<16xf32>,
          %parallel_loop3A_73 = arith.constant 2 : i32
          %parallel_loop3A_74 = arith.muli %parallel_loop3A_73, %parallel_loop3A_22 : i32
          %parallel_loop3A_75 = arith.constant 1 : i32
          %parallel_loop3A_76 = arith.addi %parallel_loop3A_74, %parallel_loop3A_75 : i32
          %parallel_loop3A_77 = arith.index_cast %parallel_loop3A_76 : i32 to index
          %parallel_loop3A_78 = arith.constant 16 : index
          %parallel_loop3A_79 = tpu.vector_load %arg5[%parallel_loop3A_77, %parallel_loop3A_78] {strides = array<i32>} : memref<128x64xf32, #tpu.memory_space<vmem>>, vector<16xf32>,
          %parallel_loop3A_80 = arith.index_cast %parallel_loop3A_22 : i32 to index
          %parallel_loop3A_81 = arith.constant 80 : index
          %parallel_loop3A_82 = tpu.vector_load %arg6[%parallel_loop3A_80, %parallel_loop3A_81] {strides = array<i32>} : memref<64x128xf32, #tpu.memory_space<vmem>>, vector<16xf32>,
          tpu.vector_store %arg6[%parallel_loop3A_80, %parallel_loop3A_81], %parallel_loop3A_79 {strides = array<i32>} : memref<64x128xf32, #tpu.memory_space<vmem>>, vector<16xf32>,
          %parallel_loop3A_83 = arith.constant 2 : i32
          %parallel_loop3A_84 = arith.muli %parallel_loop3A_83, %parallel_loop3A_22 : i32
          %parallel_loop3A_85 = arith.constant 1 : i32
          %parallel_loop3A_86 = arith.addi %parallel_loop3A_84, %parallel_loop3A_85 : i32
          %parallel_loop3A_87 = arith.index_cast %parallel_loop3A_86 : i32 to index
          %parallel_loop3A_88 = arith.constant 32 : index
          %parallel_loop3A_89 = tpu.vector_load %arg5[%parallel_loop3A_87, %parallel_loop3A_88] {strides = array<i32>} : memref<128x64xf32, #tpu.memory_space<vmem>>, vector<16xf32>,
          %parallel_loop3A_90 = arith.index_cast %parallel_loop3A_22 : i32 to index
          %parallel_loop3A_91 = arith.constant 96 : index
          %parallel_loop3A_92 = tpu.vector_load %arg6[%parallel_loop3A_90, %parallel_loop3A_91] {strides = array<i32>} : memref<64x128xf32, #tpu.memory_space<vmem>>, vector<16xf32>,
          tpu.vector_store %arg6[%parallel_loop3A_90, %parallel_loop3A_91], %parallel_loop3A_89 {strides = array<i32>} : memref<64x128xf32, #tpu.memory_space<vmem>>, vector<16xf32>,
          %parallel_loop3A_93 = arith.constant 2 : i32
          %parallel_loop3A_94 = arith.muli %parallel_loop3A_93, %parallel_loop3A_22 : i32
          %parallel_loop3A_95 = arith.constant 1 : i32
          %parallel_loop3A_96 = arith.addi %parallel_loop3A_94, %parallel_loop3A_95 : i32
          %parallel_loop3A_97 = arith.index_cast %parallel_loop3A_96 : i32 to index
          %parallel_loop3A_98 = arith.constant 48 : index
          %parallel_loop3A_99 = tpu.vector_load %arg5[%parallel_loop3A_97, %parallel_loop3A_98] {strides = array<i32>} : memref<128x64xf32, #tpu.memory_space<vmem>>, vector<16xf32>,
          %parallel_loop3A_100 = arith.index_cast %parallel_loop3A_22 : i32 to index
          %parallel_loop3A_101 = arith.constant 112 : index
          %parallel_loop3A_102 = tpu.vector_load %arg6[%parallel_loop3A_100, %parallel_loop3A_101] {strides = array<i32>} : memref<64x128xf32, #tpu.memory_space<vmem>>, vector<16xf32>,
          tpu.vector_store %arg6[%parallel_loop3A_100, %parallel_loop3A_101], %parallel_loop3A_99 {strides = array<i32>} : memref<64x128xf32, #tpu.memory_space<vmem>>, vector<16xf32>,
        } {sc.loop_unroll_factor = 8 : i64, sc.parallel_access}
        %mul3A_20 = arith.constant 64 : i32
        %mul3A_21 = arith.muli %add3A_11, %mul3A_20 : i32
        "tpu.region"() ({
          %run_scoped3A = tpu.sem_alloc : memref<!tpu.dma_semaphore, #tpu.memory_space<semaphore_mem>>
          %dma_start3A = arith.constant 0 : i32
          %dma_start3A_22 = tpu.memref_slice %arg4[%mul3A_21, %dma_start3A] : memref<500000x128xf32, #tpu.memory_space<hbm>> -> memref<64x128xf32, #tpu.memory_space<hbm>>
          %dma_start3A_23 = arith.constant 0 : i32
          %dma_start3A_24 = tpu.memref_slice %arg4[%mul3A_21, %dma_start3A_23] : memref<500000x128xf32, #tpu.memory_space<hbm>> -> memref<64x128xf32, #tpu.memory_space<hbm>>
          tpu.enqueue_dma source(%arg6 : memref<64x128xf32, #tpu.memory_space<vmem>>) target(%dma_start3A_24 : memref<64x128xf32, #tpu.memory_space<hbm>>) target_semaphore(%run_scoped3A : memref<!tpu.dma_semaphore, #tpu.memory_space<semaphore_mem>>)
          %dma_wait3A = arith.constant 0 : i32
          %dma_wait3A_25 = tpu.memref_slice %arg4[%mul3A_21, %dma_wait3A] : memref<500000x128xf32, #tpu.memory_space<hbm>> -> memref<64x128xf32, #tpu.memory_space<hbm>>
          %dma_wait3A_26 = arith.constant 0 : i32
          %dma_wait3A_27 = tpu.memref_slice %arg4[%mul3A_21, %dma_wait3A_26] : memref<500000x128xf32, #tpu.memory_space<hbm>> -> memref<64x128xf32, #tpu.memory_space<hbm>>
          tpu.wait_dma2 semaphore(%run_scoped3A : memref<!tpu.dma_semaphore, #tpu.memory_space<semaphore_mem>>) src(%arg6 : memref<64x128xf32, #tpu.memory_space<vmem>>) dst(%dma_wait3A_27 : memref<64x128xf32, #tpu.memory_space<hbm>>)
          tpu.yield
        }) : () -> ()
      } else {
      }
    }
    %scan3A_5 = arith.constant 245 : i32
    %eq3A = arith.constant 0 : i32
    %eq3A_6 = arith.cmpi eq, %add3A, %eq3A : i32
    %convert_element_type3A = arith.extui %eq3A_6 : i1 to i32
    %cond3A = arith.constant 0 : i32
    %cond3A_7 = arith.cmpi ne, %convert_element_type3A, %cond3A : i32
    scf.if %cond3A_7 {
      "tpu.region"() ({
        %run_scoped3A = tpu.sem_alloc : memref<!tpu.dma_semaphore, #tpu.memory_space<semaphore_mem>>
        %dma_start3A = arith.constant 0 : i32
        %dma_start3A_8 = arith.constant 0 : i32
        %dma_start3A_9 = tpu.memref_slice %arg6[%dma_start3A, %dma_start3A_8] : memref<64x128xf32, #tpu.memory_space<vmem>> -> memref<32x128xf32, #tpu.memory_space<vmem>>
        %dma_start3A_10 = arith.constant 0 : i32
        %dma_start3A_11 = arith.constant 0 : i32
        %dma_start3A_12 = tpu.memref_slice %arg6[%dma_start3A_10, %dma_start3A_11] : memref<64x128xf32, #tpu.memory_space<vmem>> -> memref<32x128xf32, #tpu.memory_space<vmem>>
        tpu.enqueue_dma source(%arg3 : memref<32x128xf32, #tpu.memory_space<hbm>>) target(%dma_start3A_12 : memref<32x128xf32, #tpu.memory_space<vmem>>) target_semaphore(%run_scoped3A : memref<!tpu.dma_semaphore, #tpu.memory_space<semaphore_mem>>)
        %dma_wait3A = arith.constant 0 : i32
        %dma_wait3A_13 = arith.constant 0 : i32
        %dma_wait3A_14 = tpu.memref_slice %arg6[%dma_wait3A, %dma_wait3A_13] : memref<64x128xf32, #tpu.memory_space<vmem>> -> memref<32x128xf32, #tpu.memory_space<vmem>>
        %dma_wait3A_15 = arith.constant 0 : i32
        %dma_wait3A_16 = arith.constant 0 : i32
        %dma_wait3A_17 = tpu.memref_slice %arg6[%dma_wait3A_15, %dma_wait3A_16] : memref<64x128xf32, #tpu.memory_space<vmem>> -> memref<32x128xf32, #tpu.memory_space<vmem>>
        tpu.wait_dma2 semaphore(%run_scoped3A : memref<!tpu.dma_semaphore, #tpu.memory_space<semaphore_mem>>) src(%arg3 : memref<32x128xf32, #tpu.memory_space<hbm>>) dst(%dma_wait3A_17 : memref<32x128xf32, #tpu.memory_space<vmem>>)
        tpu.yield
      }) : () -> ()
      "tpu.region"() ({
        %run_scoped3A = tpu.sem_alloc : memref<!tpu.dma_semaphore, #tpu.memory_space<semaphore_mem>>
        %dma_start3A = arith.constant 0 : i32
        %dma_start3A_8 = arith.constant 0 : i32
        %dma_start3A_9 = tpu.memref_slice %arg6[%dma_start3A, %dma_start3A_8] : memref<64x128xf32, #tpu.memory_space<vmem>> -> memref<32x128xf32, #tpu.memory_space<vmem>>
        %dma_start3A_10 = arith.constant 499968 : i32
        %dma_start3A_11 = arith.constant 0 : i32
        %dma_start3A_12 = tpu.memref_slice %arg4[%dma_start3A_10, %dma_start3A_11] : memref<500000x128xf32, #tpu.memory_space<hbm>> -> memref<32x128xf32, #tpu.memory_space<hbm>>
        %dma_start3A_13 = arith.constant 499968 : i32
        %dma_start3A_14 = arith.constant 0 : i32
        %dma_start3A_15 = tpu.memref_slice %arg4[%dma_start3A_13, %dma_start3A_14] : memref<500000x128xf32, #tpu.memory_space<hbm>> -> memref<32x128xf32, #tpu.memory_space<hbm>>
        %dma_start3A_16 = arith.constant 0 : i32
        %dma_start3A_17 = arith.constant 0 : i32
        %dma_start3A_18 = tpu.memref_slice %arg6[%dma_start3A_16, %dma_start3A_17] : memref<64x128xf32, #tpu.memory_space<vmem>> -> memref<32x128xf32, #tpu.memory_space<vmem>>
        tpu.enqueue_dma source(%dma_start3A_18 : memref<32x128xf32, #tpu.memory_space<vmem>>) target(%dma_start3A_15 : memref<32x128xf32, #tpu.memory_space<hbm>>) target_semaphore(%run_scoped3A : memref<!tpu.dma_semaphore, #tpu.memory_space<semaphore_mem>>)
        %dma_wait3A = arith.constant 0 : i32
        %dma_wait3A_19 = arith.constant 0 : i32
        %dma_wait3A_20 = tpu.memref_slice %arg6[%dma_wait3A, %dma_wait3A_19] : memref<64x128xf32, #tpu.memory_space<vmem>> -> memref<32x128xf32, #tpu.memory_space<vmem>>
        %dma_wait3A_21 = arith.constant 499968 : i32
        %dma_wait3A_22 = arith.constant 0 : i32
        %dma_wait3A_23 = tpu.memref_slice %arg4[%dma_wait3A_21, %dma_wait3A_22] : memref<500000x128xf32, #tpu.memory_space<hbm>> -> memref<32x128xf32, #tpu.memory_space<hbm>>
        %dma_wait3A_24 = arith.constant 499968 : i32
        %dma_wait3A_25 = arith.constant 0 : i32
        %dma_wait3A_26 = tpu.memref_slice %arg4[%dma_wait3A_24, %dma_wait3A_25] : memref<500000x128xf32, #tpu.memory_space<hbm>> -> memref<32x128xf32, #tpu.memory_space<hbm>>
        %dma_wait3A_27 = arith.constant 0 : i32
        %dma_wait3A_28 = arith.constant 0 : i32
        %dma_wait3A_29 = tpu.memref_slice %arg6[%dma_wait3A_27, %dma_wait3A_28] : memref<64x128xf32, #tpu.memory_space<vmem>> -> memref<32x128xf32, #tpu.memory_space<vmem>>
        tpu.wait_dma2 semaphore(%run_scoped3A : memref<!tpu.dma_semaphore, #tpu.memory_space<semaphore_mem>>) src(%dma_wait3A_29 : memref<32x128xf32, #tpu.memory_space<vmem>>) dst(%dma_wait3A_26 : memref<32x128xf32, #tpu.memory_space<hbm>>)
        tpu.yield
      }) : () -> ()
    } else {
    }
    return
  }
}

#map = affine_map<(d0, d1) -> (0, 0, 0)>
#map1 = affine_map<(d0, d1) -> (0, 0)>
module attributes {stable_mosaic.version = 14 : i64} {
  func.func @_emb_lookup(%arg0: i32, %arg1: i32, %arg2: memref<32x1x25600xi32, #tpu.memory_space<hbm>>, %arg3: memref<1000000x64xf32, #tpu.memory_space<hbm>>, %arg4: memref<1280x640x128xf32, #tpu.memory_space<hbm>>, %arg5: memref<1x25600xi32, #tpu.memory_space<vmem>>, %arg6: memref<640x64xf32, #tpu.memory_space<vmem>>, %arg7: memref<640x64xf32, #tpu.memory_space<vmem>>, %arg8: memref<!tpu.dma_semaphore, #tpu.memory_space<semaphore_mem>>, %arg9: memref<!tpu.dma_semaphore, #tpu.memory_space<semaphore_mem>>, %arg10: memref<!tpu.dma_semaphore, #tpu.memory_space<semaphore_mem>>, %arg11: memref<!tpu.dma_semaphore, #tpu.memory_space<semaphore_mem>>) attributes {dimension_semantics = [#tpu.dimension_semantics<core_parallel>, #tpu.dimension_semantics<subcore_parallel>], iteration_bounds = array<i64: 2, 16>, scalar_prefetch = 0 : i64, scratch_operands = 7 : i64, tpu.core_type = #tpu.core_type<sc_vector_subcore>, window_params = [{transform_indices = #map}, {transform_indices = #map1}, {transform_indices = #map}]} {
    %mul3A = arith.constant 2 : i32
    %mul3A_0 = arith.muli %arg1, %mul3A : i32
    %add3A = arith.addi %mul3A_0, %arg0 : i32
    %mul3A_1 = arith.constant 40 : i32
    %mul3A_2 = arith.muli %add3A, %mul3A_1 : i32
    "tpu.region"() ({
      %run_scoped3A = tpu.sem_alloc : memref<!tpu.dma_semaphore, #tpu.memory_space<semaphore_mem>>
      %dma_start3A_23 = arith.constant 0 : i32
      %dma_start3A_24 = arith.constant 0 : i32
      %dma_start3A_25 = tpu.memref_slice %arg2[%add3A, %dma_start3A_23, %dma_start3A_24] : memref<32x1x25600xi32, #tpu.memory_space<hbm>> -> memref<1x1x25600xi32, #tpu.memory_space<hbm>>
      %dma_start3A_26 = tpu.memref_squeeze %dma_start3A_25 : memref<1x1x25600xi32, #tpu.memory_space<hbm>> -> memref<1x25600xi32, #tpu.memory_space<hbm>>
      %dma_start3A_27 = arith.constant 0 : i32
      %dma_start3A_28 = arith.constant 0 : i32
      %dma_start3A_29 = tpu.memref_slice %arg2[%add3A, %dma_start3A_27, %dma_start3A_28] : memref<32x1x25600xi32, #tpu.memory_space<hbm>> -> memref<1x1x25600xi32, #tpu.memory_space<hbm>>
      %dma_start3A_30 = tpu.memref_squeeze %dma_start3A_29 : memref<1x1x25600xi32, #tpu.memory_space<hbm>> -> memref<1x25600xi32, #tpu.memory_space<hbm>>
      tpu.enqueue_dma source(%dma_start3A_30 : memref<1x25600xi32, #tpu.memory_space<hbm>>) target(%arg5 : memref<1x25600xi32, #tpu.memory_space<vmem>>) target_semaphore(%run_scoped3A : memref<!tpu.dma_semaphore, #tpu.memory_space<semaphore_mem>>)
      %dma_wait3A_31 = arith.constant 0 : i32
      %dma_wait3A_32 = arith.constant 0 : i32
      %dma_wait3A_33 = tpu.memref_slice %arg2[%add3A, %dma_wait3A_31, %dma_wait3A_32] : memref<32x1x25600xi32, #tpu.memory_space<hbm>> -> memref<1x1x25600xi32, #tpu.memory_space<hbm>>
      %dma_wait3A_34 = tpu.memref_squeeze %dma_wait3A_33 : memref<1x1x25600xi32, #tpu.memory_space<hbm>> -> memref<1x25600xi32, #tpu.memory_space<hbm>>
      %dma_wait3A_35 = arith.constant 0 : i32
      %dma_wait3A_36 = arith.constant 0 : i32
      %dma_wait3A_37 = tpu.memref_slice %arg2[%add3A, %dma_wait3A_35, %dma_wait3A_36] : memref<32x1x25600xi32, #tpu.memory_space<hbm>> -> memref<1x1x25600xi32, #tpu.memory_space<hbm>>
      %dma_wait3A_38 = tpu.memref_squeeze %dma_wait3A_37 : memref<1x1x25600xi32, #tpu.memory_space<hbm>> -> memref<1x25600xi32, #tpu.memory_space<hbm>>
      tpu.wait_dma2 semaphore(%run_scoped3A : memref<!tpu.dma_semaphore, #tpu.memory_space<semaphore_mem>>) src(%dma_wait3A_38 : memref<1x25600xi32, #tpu.memory_space<hbm>>) dst(%arg5 : memref<1x25600xi32, #tpu.memory_space<vmem>>)
      tpu.yield
    }) : () -> ()
    %dma_start3A = arith.constant 0 : i32
    %dma_start3A_3 = arith.constant 0 : i32
    %dma_start3A_4 = tpu.memref_slice %arg5[%dma_start3A, %dma_start3A_3] : memref<1x25600xi32, #tpu.memory_space<vmem>> -> memref<1x640xi32, #tpu.memory_space<vmem>>
    %dma_start3A_5 = tpu.memref_squeeze %dma_start3A_4 : memref<1x640xi32, #tpu.memory_space<vmem>> -> memref<640xi32, #tpu.memory_space<vmem>>
    %dma_start3A_6 = arith.constant 0 : i32
    %dma_start3A_7 = arith.constant 0 : i32
    %dma_start3A_8 = tpu.memref_slice %arg3[%dma_start3A_6, %dma_start3A_7] : memref<1000000x64xf32, #tpu.memory_space<hbm>> -> memref<1000000x64xf32, #tpu.memory_space<hbm>>
    tpu.enqueue_indirect_dma source(%dma_start3A_8 : memref<1000000x64xf32, #tpu.memory_space<hbm>>) target(%arg6 : memref<640x64xf32, #tpu.memory_space<vmem>>) offsets(%dma_start3A_5 : memref<640xi32, #tpu.memory_space<vmem>>) semaphore(%arg8 : memref<!tpu.dma_semaphore, #tpu.memory_space<semaphore_mem>>)
    %scan3A = arith.constant 0 : i32
    %scan3A_9 = arith.constant 0 : i32
    %scan3A_10 = arith.constant 20 : i32
    %scan3A_11 = arith.addi %scan3A_9, %scan3A_10 : i32
    %scan3A_12 = arith.constant 1 : i32
    scf.for %scan3A_23 = %scan3A_9 to %scan3A_11 step %scan3A_12  : i32 {
      %mul3A_24 = arith.constant 2 : i32
      %mul3A_25 = arith.muli %mul3A_24, %scan3A_23 : i32
      %add3A_26 = arith.constant 0 : i32
      %add3A_27 = arith.addi %mul3A_25, %add3A_26 : i32
      %ge3A = arith.constant 1 : i32
      %ge3A_28 = arith.cmpi sge, %add3A_27, %ge3A : i32
      %convert_element_type3A = arith.extui %ge3A_28 : i1 to i32
      %cond3A = arith.constant 0 : i32
      %cond3A_29 = arith.cmpi ne, %convert_element_type3A, %cond3A : i32
      scf.if %cond3A_29 {
        %add3A_84 = arith.constant 0 : i32
        %add3A_85 = arith.addi %mul3A_2, %add3A_84 : i32
        %dma_wait3A_86 = arith.constant 0 : i32
        %dma_wait3A_87 = arith.constant 0 : i32
        %dma_wait3A_88 = tpu.memref_slice %arg4[%add3A_85, %dma_wait3A_86, %dma_wait3A_87] : memref<1280x640x128xf32, #tpu.memory_space<hbm>> -> memref<1x640x64xf32, #tpu.memory_space<hbm>>
        %dma_wait3A_89 = tpu.memref_squeeze %dma_wait3A_88 : memref<1x640x64xf32, #tpu.memory_space<hbm>> -> memref<640x64xf32, #tpu.memory_space<hbm>>
        %dma_wait3A_90 = arith.constant 0 : i32
        %dma_wait3A_91 = arith.constant 0 : i32
        %dma_wait3A_92 = tpu.memref_slice %arg4[%add3A_85, %dma_wait3A_90, %dma_wait3A_91] : memref<1280x640x128xf32, #tpu.memory_space<hbm>> -> memref<1x640x64xf32, #tpu.memory_space<hbm>>
        %dma_wait3A_93 = tpu.memref_squeeze %dma_wait3A_92 : memref<1x640x64xf32, #tpu.memory_space<hbm>> -> memref<640x64xf32, #tpu.memory_space<hbm>>
        tpu.wait_dma2 semaphore(%arg11 : memref<!tpu.dma_semaphore, #tpu.memory_space<semaphore_mem>>) src(%arg7 : memref<640x64xf32, #tpu.memory_space<vmem>>) dst(%dma_wait3A_93 : memref<640x64xf32, #tpu.memory_space<hbm>>)
      } else {
      }
      %add3A_30 = arith.constant 1 : i32
      %add3A_31 = arith.addi %add3A_27, %add3A_30 : i32
      %lt3A = arith.constant 40 : i32
      %lt3A_32 = arith.cmpi slt, %add3A_31, %lt3A : i32
      %convert_element_type3A_33 = arith.extui %lt3A_32 : i1 to i32
      %cond3A_34 = arith.constant 0 : i32
      %cond3A_35 = arith.cmpi ne, %convert_element_type3A_33, %cond3A_34 : i32
      scf.if %cond3A_35 {
        %add3A_84 = arith.constant 1 : i32
        %add3A_85 = arith.addi %add3A_27, %add3A_84 : i32
        %mul3A_86 = arith.constant 640 : i32
        %mul3A_87 = arith.muli %add3A_85, %mul3A_86 : i32
        %dma_start3A_88 = arith.constant 0 : i32
        %dma_start3A_89 = tpu.memref_slice %arg5[%dma_start3A_88, %mul3A_87] : memref<1x25600xi32, #tpu.memory_space<vmem>> -> memref<1x640xi32, #tpu.memory_space<vmem>>
        %dma_start3A_90 = tpu.memref_squeeze %dma_start3A_89 : memref<1x640xi32, #tpu.memory_space<vmem>> -> memref<640xi32, #tpu.memory_space<vmem>>
        %dma_start3A_91 = arith.constant 0 : i32
        %dma_start3A_92 = arith.constant 0 : i32
        %dma_start3A_93 = tpu.memref_slice %arg3[%dma_start3A_91, %dma_start3A_92] : memref<1000000x64xf32, #tpu.memory_space<hbm>> -> memref<1000000x64xf32, #tpu.memory_space<hbm>>
        tpu.enqueue_indirect_dma source(%dma_start3A_93 : memref<1000000x64xf32, #tpu.memory_space<hbm>>) target(%arg7 : memref<640x64xf32, #tpu.memory_space<vmem>>) offsets(%dma_start3A_90 : memref<640xi32, #tpu.memory_space<vmem>>) semaphore(%arg9 : memref<!tpu.dma_semaphore, #tpu.memory_space<semaphore_mem>>)
      } else {
      }
      %dma_wait3A_36 = arith.constant 0 : i32
      %dma_wait3A_37 = arith.constant 0 : i32
      %dma_wait3A_38 = tpu.memref_slice %arg5[%dma_wait3A_36, %dma_wait3A_37] : memref<1x25600xi32, #tpu.memory_space<vmem>> -> memref<1x640xi32, #tpu.memory_space<vmem>>
      %dma_wait3A_39 = tpu.memref_squeeze %dma_wait3A_38 : memref<1x640xi32, #tpu.memory_space<vmem>> -> memref<640xi32, #tpu.memory_space<vmem>>
      %dma_wait3A_40 = arith.constant 0 : i32
      %dma_wait3A_41 = arith.constant 0 : i32
      %dma_wait3A_42 = tpu.memref_slice %arg3[%dma_wait3A_40, %dma_wait3A_41] : memref<1000000x64xf32, #tpu.memory_space<hbm>> -> memref<1000000x64xf32, #tpu.memory_space<hbm>>
      tpu.wait_indirect_dma semaphore(%arg8 : memref<!tpu.dma_semaphore, #tpu.memory_space<semaphore_mem>>) src(%dma_wait3A_42 : memref<1000000x64xf32, #tpu.memory_space<hbm>>) dst(%arg6 : memref<640x64xf32, #tpu.memory_space<vmem>>)
      %add3A_43 = arith.addi %mul3A_2, %add3A_27 : i32
      %dma_start3A_44 = arith.constant 0 : i32
      %dma_start3A_45 = arith.constant 0 : i32
      %dma_start3A_46 = tpu.memref_slice %arg4[%add3A_43, %dma_start3A_44, %dma_start3A_45] : memref<1280x640x128xf32, #tpu.memory_space<hbm>> -> memref<1x640x64xf32, #tpu.memory_space<hbm>>
      %dma_start3A_47 = tpu.memref_squeeze %dma_start3A_46 : memref<1x640x64xf32, #tpu.memory_space<hbm>> -> memref<640x64xf32, #tpu.memory_space<hbm>>
      %dma_start3A_48 = arith.constant 0 : i32
      %dma_start3A_49 = arith.constant 0 : i32
      %dma_start3A_50 = tpu.memref_slice %arg4[%add3A_43, %dma_start3A_48, %dma_start3A_49] : memref<1280x640x128xf32, #tpu.memory_space<hbm>> -> memref<1x640x64xf32, #tpu.memory_space<hbm>>
      %dma_start3A_51 = tpu.memref_squeeze %dma_start3A_50 : memref<1x640x64xf32, #tpu.memory_space<hbm>> -> memref<640x64xf32, #tpu.memory_space<hbm>>
      tpu.enqueue_dma source(%arg6 : memref<640x64xf32, #tpu.memory_space<vmem>>) target(%dma_start3A_51 : memref<640x64xf32, #tpu.memory_space<hbm>>) target_semaphore(%arg10 : memref<!tpu.dma_semaphore, #tpu.memory_space<semaphore_mem>>)
      %mul3A_52 = arith.constant 2 : i32
      %mul3A_53 = arith.muli %mul3A_52, %scan3A_23 : i32
      %add3A_54 = arith.constant 1 : i32
      %add3A_55 = arith.addi %mul3A_53, %add3A_54 : i32
      %ge3A_56 = arith.constant 1 : i32
      %ge3A_57 = arith.cmpi sge, %add3A_55, %ge3A_56 : i32
      %convert_element_type3A_58 = arith.extui %ge3A_57 : i1 to i32
      %cond3A_59 = arith.constant 0 : i32
      %cond3A_60 = arith.cmpi ne, %convert_element_type3A_58, %cond3A_59 : i32
      scf.if %cond3A_60 {
        %add3A_84 = arith.constant 0 : i32
        %add3A_85 = arith.addi %mul3A_2, %add3A_84 : i32
        %dma_wait3A_86 = arith.constant 0 : i32
        %dma_wait3A_87 = arith.constant 0 : i32
        %dma_wait3A_88 = tpu.memref_slice %arg4[%add3A_85, %dma_wait3A_86, %dma_wait3A_87] : memref<1280x640x128xf32, #tpu.memory_space<hbm>> -> memref<1x640x64xf32, #tpu.memory_space<hbm>>
        %dma_wait3A_89 = tpu.memref_squeeze %dma_wait3A_88 : memref<1x640x64xf32, #tpu.memory_space<hbm>> -> memref<640x64xf32, #tpu.memory_space<hbm>>
        %dma_wait3A_90 = arith.constant 0 : i32
        %dma_wait3A_91 = arith.constant 0 : i32
        %dma_wait3A_92 = tpu.memref_slice %arg4[%add3A_85, %dma_wait3A_90, %dma_wait3A_91] : memref<1280x640x128xf32, #tpu.memory_space<hbm>> -> memref<1x640x64xf32, #tpu.memory_space<hbm>>
        %dma_wait3A_93 = tpu.memref_squeeze %dma_wait3A_92 : memref<1x640x64xf32, #tpu.memory_space<hbm>> -> memref<640x64xf32, #tpu.memory_space<hbm>>
        tpu.wait_dma2 semaphore(%arg10 : memref<!tpu.dma_semaphore, #tpu.memory_space<semaphore_mem>>) src(%arg6 : memref<640x64xf32, #tpu.memory_space<vmem>>) dst(%dma_wait3A_93 : memref<640x64xf32, #tpu.memory_space<hbm>>)
      } else {
      }
      %add3A_61 = arith.constant 1 : i32
      %add3A_62 = arith.addi %add3A_55, %add3A_61 : i32
      %lt3A_63 = arith.constant 40 : i32
      %lt3A_64 = arith.cmpi slt, %add3A_62, %lt3A_63 : i32
      %convert_element_type3A_65 = arith.extui %lt3A_64 : i1 to i32
      %cond3A_66 = arith.constant 0 : i32
      %cond3A_67 = arith.cmpi ne, %convert_element_type3A_65, %cond3A_66 : i32
      scf.if %cond3A_67 {
        %add3A_84 = arith.constant 1 : i32
        %add3A_85 = arith.addi %add3A_55, %add3A_84 : i32
        %mul3A_86 = arith.constant 640 : i32
        %mul3A_87 = arith.muli %add3A_85, %mul3A_86 : i32
        %dma_start3A_88 = arith.constant 0 : i32
        %dma_start3A_89 = tpu.memref_slice %arg5[%dma_start3A_88, %mul3A_87] : memref<1x25600xi32, #tpu.memory_space<vmem>> -> memref<1x640xi32, #tpu.memory_space<vmem>>
        %dma_start3A_90 = tpu.memref_squeeze %dma_start3A_89 : memref<1x640xi32, #tpu.memory_space<vmem>> -> memref<640xi32, #tpu.memory_space<vmem>>
        %dma_start3A_91 = arith.constant 0 : i32
        %dma_start3A_92 = arith.constant 0 : i32
        %dma_start3A_93 = tpu.memref_slice %arg3[%dma_start3A_91, %dma_start3A_92] : memref<1000000x64xf32, #tpu.memory_space<hbm>> -> memref<1000000x64xf32, #tpu.memory_space<hbm>>
        tpu.enqueue_indirect_dma source(%dma_start3A_93 : memref<1000000x64xf32, #tpu.memory_space<hbm>>) target(%arg6 : memref<640x64xf32, #tpu.memory_space<vmem>>) offsets(%dma_start3A_90 : memref<640xi32, #tpu.memory_space<vmem>>) semaphore(%arg8 : memref<!tpu.dma_semaphore, #tpu.memory_space<semaphore_mem>>)
      } else {
      }
      %dma_wait3A_68 = arith.constant 0 : i32
      %dma_wait3A_69 = arith.constant 0 : i32
      %dma_wait3A_70 = tpu.memref_slice %arg5[%dma_wait3A_68, %dma_wait3A_69] : memref<1x25600xi32, #tpu.memory_space<vmem>> -> memref<1x640xi32, #tpu.memory_space<vmem>>
      %dma_wait3A_71 = tpu.memref_squeeze %dma_wait3A_70 : memref<1x640xi32, #tpu.memory_space<vmem>> -> memref<640xi32, #tpu.memory_space<vmem>>
      %dma_wait3A_72 = arith.constant 0 : i32
      %dma_wait3A_73 = arith.constant 0 : i32
      %dma_wait3A_74 = tpu.memref_slice %arg3[%dma_wait3A_72, %dma_wait3A_73] : memref<1000000x64xf32, #tpu.memory_space<hbm>> -> memref<1000000x64xf32, #tpu.memory_space<hbm>>
      tpu.wait_indirect_dma semaphore(%arg9 : memref<!tpu.dma_semaphore, #tpu.memory_space<semaphore_mem>>) src(%dma_wait3A_74 : memref<1000000x64xf32, #tpu.memory_space<hbm>>) dst(%arg7 : memref<640x64xf32, #tpu.memory_space<vmem>>)
      %add3A_75 = arith.addi %mul3A_2, %add3A_55 : i32
      %dma_start3A_76 = arith.constant 0 : i32
      %dma_start3A_77 = arith.constant 0 : i32
      %dma_start3A_78 = tpu.memref_slice %arg4[%add3A_75, %dma_start3A_76, %dma_start3A_77] : memref<1280x640x128xf32, #tpu.memory_space<hbm>> -> memref<1x640x64xf32, #tpu.memory_space<hbm>>
      %dma_start3A_79 = tpu.memref_squeeze %dma_start3A_78 : memref<1x640x64xf32, #tpu.memory_space<hbm>> -> memref<640x64xf32, #tpu.memory_space<hbm>>
      %dma_start3A_80 = arith.constant 0 : i32
      %dma_start3A_81 = arith.constant 0 : i32
      %dma_start3A_82 = tpu.memref_slice %arg4[%add3A_75, %dma_start3A_80, %dma_start3A_81] : memref<1280x640x128xf32, #tpu.memory_space<hbm>> -> memref<1x640x64xf32, #tpu.memory_space<hbm>>
      %dma_start3A_83 = tpu.memref_squeeze %dma_start3A_82 : memref<1x640x64xf32, #tpu.memory_space<hbm>> -> memref<640x64xf32, #tpu.memory_space<hbm>>
      tpu.enqueue_dma source(%arg7 : memref<640x64xf32, #tpu.memory_space<vmem>>) target(%dma_start3A_83 : memref<640x64xf32, #tpu.memory_space<hbm>>) target_semaphore(%arg11 : memref<!tpu.dma_semaphore, #tpu.memory_space<semaphore_mem>>)
    }
    %scan3A_13 = arith.constant 20 : i32
    %add3A_14 = arith.constant 0 : i32
    %add3A_15 = arith.addi %mul3A_2, %add3A_14 : i32
    %dma_wait3A = arith.constant 0 : i32
    %dma_wait3A_16 = arith.constant 0 : i32
    %dma_wait3A_17 = tpu.memref_slice %arg4[%add3A_15, %dma_wait3A, %dma_wait3A_16] : memref<1280x640x128xf32, #tpu.memory_space<hbm>> -> memref<1x640x64xf32, #tpu.memory_space<hbm>>
    %dma_wait3A_18 = tpu.memref_squeeze %dma_wait3A_17 : memref<1x640x64xf32, #tpu.memory_space<hbm>> -> memref<640x64xf32, #tpu.memory_space<hbm>>
    %dma_wait3A_19 = arith.constant 0 : i32
    %dma_wait3A_20 = arith.constant 0 : i32
    %dma_wait3A_21 = tpu.memref_slice %arg4[%add3A_15, %dma_wait3A_19, %dma_wait3A_20] : memref<1280x640x128xf32, #tpu.memory_space<hbm>> -> memref<1x640x64xf32, #tpu.memory_space<hbm>>
    %dma_wait3A_22 = tpu.memref_squeeze %dma_wait3A_21 : memref<1x640x64xf32, #tpu.memory_space<hbm>> -> memref<640x64xf32, #tpu.memory_space<hbm>>
    tpu.wait_dma2 semaphore(%arg11 : memref<!tpu.dma_semaphore, #tpu.memory_space<semaphore_mem>>) src(%arg7 : memref<640x64xf32, #tpu.memory_space<vmem>>) dst(%dma_wait3A_22 : memref<640x64xf32, #tpu.memory_space<hbm>>)
    return
  }
}

</mosaic_0001>

<sc_bundles>
// kernel: kernel.4.cloned.1.call-start
scs
__scs_entry_jumppad:
0x0: {  	(pc) =	sbr.rel $0x88, $3  }
0x1: {  	(tag) =	ssettag $0x0;
	lr =	simm.s32 $0x1  }
0x2: {  	[smem:$0x3F9F] =	sst lr;
	_ =	strace $0xD0000000  }
0x3: {  	_ = 	snop  }
0x4: {  	_ = 	snop  }
0x5: {  	_ = 	snop  }
0x6: {  	_ = 	snop  }
0x7: {  	_ = 	snop  }
__scs_overlays_trampoline_lowered:
0x8: {  	[smem:$0x3FAE] =	sst s0  }
0x9: {  	[smem:$0x3FAF] =	sst s1  }
0xa: {  	[smem:$0x3FB0] =	sst s2  }
0xb: {  	[smem:$0x3FB1] =	sst s3  }
0xc: {  	[smem:$0x3FB2] =	sst s4  }
0xd: {  	[smem:$0x3FB3] =	sst s5  }
0xe: {  	[smem:$0x3FB4] =	sst s6  }
0xf: {  	[smem:$0x3FB5] =	sst s7  }
0x10: {  	[smem:$0x3FB6] =	sst s8  }
0x11: {  	[smem:$0x3FB7] =	sst s9;
	s0 =	simm.s32 @!p0 $0x0  }
0x12: {  	s1 =	sld [smem:$0x3F9D];
	s0 =	simm.s32 @p0 $0x1  }
0x13: {  	[smem:$0x3FB8] =	sst s0;
	s0 =	simm.s32 @!p1 $0x0  }
0x14: {  	s2 =	sld [smem:$0x3F9C];
	s0 =	simm.s32 @p1 $0x1  }
0x15: {  	[smem:$0x3FB9] =	sst s0;
	s0 =	simm.s32 @!p2 $0x0  }
0x16: {  	s3 =	sld [smem:$0x3FDB];
	s0 =	simm.s32 @p2 $0x1  }
0x17: {  	s4 =	simm.s32 $0x1BF5;
	[smem:$0x3FBB] =	sst s0  }
0x18: {  	s0 =	sld [smem:$0x3F9E];
	_ =	swait.ge [sflag:s4], $0x0  }
0x19: {  	s7 =	sld [smem:$0x3F9F]  }
0x1a: {  	s8 =	sadd.s32 $0xFFFFE003, lr  }
0x1b: {  	s9 =	sadd.s32 $0xFFFFFEF7, lr;
	s5 =	simm.s32 $0xFFFFFFFF;
	p2 =	slt.u32 s8, $0xFFFFF086  }
0x1c: {  	p1 =	slt.u32 s9, $0xF7A;
	s5 =	simm.s32 @!p2 $0x0  }
0x1d: {  	s5 =	simm.s32 @p1 $0x1;
	p0 =	seq.s32 s7, s2  }
0x1e: {  	s7 =	smul.u32 @!p0 $0xF7A, s2;
	p2 =	seq.s32 @!p0 s5, $0x0  }
0x1f: {  	s9 =	smul.u32 $0xF7A, s1;
	s8 =	simm.s32 @!p0 $0x1BF5;
	p2 =	por !p2, p0  }
0x20: {  	[sflag:s8] =	ssyncset.s32 @!p0 $0xFFFFF086;
	s6 =	sadd.s32 @!p0 s3, s7;
	s7 =	simm.s32 @!p0 $0x108  }
0x21: {  	s3 =	sadd.s32 s3, s9;
	s6 =	sadd.s32 @!p0 $0x88, s6;
	s7 =	simm.s32 @p2 $0x1082  }
0x22: {  	[simem:s7], [sflag:s8] =	dma.local @!p0 [hbm:s6], $0xF7A  }
0x23: {  	s9 =	sor.u32 $0xD0000000, s2;
	s6 =	simm.s32 $0x108;
	_ =	swait.ge @!p0 [sflag:s8], $0x0  }
0x24: {  	s3 =	sadd.s32 $0x88, s3;
	s6 =	simm.s32 @!p1 $0x1082;
	[sflag:s4] =	ssyncset.s32 $0xFFFFF086  }
0x25: {  	[simem:s6], [sflag:s4] =	dma.local [hbm:s3], $0xF7A  }
0x26: {  	[smem:$0x3F9F] =	sst s1;
	(tag) =	ssettag s2;
	_ =	strace s9  }
0x27: {  	s1 =	sld [smem:$0x3FAF]  }
0x28: {  	s2 =	sld [smem:$0x3FB0]  }
0x29: {  	s4 =	sld [smem:$0x3FB2]  }
0x2a: {  	p0 =	seq.s32 s5, $0x0;
	s5 =	sld [smem:$0x3FB3]  }
0x2b: {  	s6 =	sld [smem:$0x3FB4]  }
0x2c: {  	s7 =	sld [smem:$0x3FB5]  }
0x2d: {  	s3 =	simm.s32 $0x108;
	s8 =	sld [smem:$0x3FB6]  }
0x2e: {  	s3 =	simm.s32 @!p0 $0x1082;
	s9 =	sld [smem:$0x3FB7]  }
0x2f: {  	lr =	sadd.s32 s0, s3;
	s0 =	sld [smem:$0x3FAE]  }
0x30: {  	s3 =	sld [smem:$0x3FB1]  }
0x31: {  	[smem:$0x3FBA] =	sst s10  }
0x32: {  	s10 =	sld [smem:$0x3FB8];
	_ =	sdelay $0x3  }
0x33: {  	p0 =	seq.s32 s10, $0x1;
	s10 =	sld [smem:$0x3FBA];
	_ =	sdelay $0x3  }
0x34: {  	[smem:$0x3FBA] =	sst s10  }
0x35: {  	s10 =	sld [smem:$0x3FB9];
	_ =	sdelay $0x3  }
0x36: {  	p1 =	seq.s32 s10, $0x1;
	s10 =	sld [smem:$0x3FBA];
	_ =	sdelay $0x3  }
0x37: {  	[smem:$0x3FBA] =	sst s10  }
0x38: {  	s10 =	sld [smem:$0x3FBB]  }
0x39: {  	_ = 	snop;
	(pc) =	sbr.ind lr, $3  }
0x3a: {  	_ = 	snop  }
0x3b: {  	_ = 	snop  }
0x3c: {  	p2 =	seq.s32 s10, $0x1;
	s10 =	sld [smem:$0x3FBA]  }
0x3d: {  	_ =	shalt  }
0x3e: {  	_ =	shalt  }
0x3f: {  	_ =	shalt  }
0x40: {  	_ =	shalt  }
0x41: {  	_ =	shalt  }
0x42: {  	_ =	shalt  }
0x43: {  	_ =	shalt  }
0x44: {  	_ =	shalt  }
0x45: {  	_ =	shalt  }
0x46: {  	_ =	shalt  }
0x47: {  	_ =	shalt  }
0x48: {  	_ =	shalt  }
0x49: {  	_ =	shalt  }
0x4a: {  	_ =	shalt  }
0x4b: {  	_ =	shalt  }
0x4c: {  	_ =	shalt  }
0x4d: {  	_ =	shalt  }
0x4e: {  	_ =	shalt  }
0x4f: {  	_ =	shalt  }
0x50: {  	_ =	shalt  }
0x51: {  	_ =	shalt  }
0x52: {  	_ =	shalt  }
0x53: {  	_ =	shalt  }
0x54: {  	_ =	shalt  }
0x55: {  	_ =	shalt  }
0x56: {  	_ =	shalt  }
0x57: {  	_ =	shalt  }
0x58: {  	_ =	shalt  }
0x59: {  	_ =	shalt  }
0x5a: {  	_ =	shalt  }
0x5b: {  	_ =	shalt  }
0x5c: {  	_ =	shalt  }
0x5d: {  	_ =	shalt  }
0x5e: {  	_ =	shalt  }
0x5f: {  	_ =	shalt  }
0x60: {  	_ =	shalt  }
0x61: {  	_ =	shalt  }
0x62: {  	_ =	shalt  }
0x63: {  	_ =	shalt  }
0x64: {  	_ =	shalt  }
0x65: {  	_ =	shalt  }
0x66: {  	_ =	shalt  }
0x67: {  	_ =	shalt  }
0x68: {  	_ =	shalt  }
0x69: {  	_ =	shalt  }
0x6a: {  	_ =	shalt  }
0x6b: {  	_ =	shalt  }
0x6c: {  	_ =	shalt  }
0x6d: {  	_ =	shalt  }
0x6e: {  	_ =	shalt  }
0x6f: {  	_ =	shalt  }
0x70: {  	_ =	shalt  }
0x71: {  	_ =	shalt  }
0x72: {  	_ =	shalt  }
0x73: {  	_ =	shalt  }
0x74: {  	_ =	shalt  }
0x75: {  	_ =	shalt  }
0x76: {  	_ =	shalt  }
0x77: {  	_ =	shalt  }
0x78: {  	_ =	shalt  }
0x79: {  	_ =	shalt  }
0x7a: {  	_ =	shalt  }
0x7b: {  	_ =	shalt  }
0x7c: {  	_ =	shalt  }
0x7d: {  	_ =	shalt  }
0x7e: {  	_ =	shalt  }
0x7f: {  	_ =	shalt  }
0x80: {  	_ =	shalt  }
0x81: {  	_ =	shalt  }
0x82: {  	_ =	shalt  }
0x83: {  	_ =	shalt  }
0x84: {  	_ =	shalt  }
0x85: {  	_ =	shalt  }
0x86: {  	_ =	shalt  }
0x87: {  	_ =	shalt  }
.Lfunc_end0:
.L_simem_size_0:
called_computation.1_lowered:
.L_overlay_start_0:
0x88: {  	s2 =	sld [smem:$0x3FD9]  }
0x89: {  	s3 =	sld [smem:$0x3FFE];
	_ =	sdelay $0x1  }
0x8a: {  	s1 =	srdreg.scid  }
0x8b: {  	s0 =	sand.u32 $0x1, s1  }
0x8c: {  	s16 =	sshll.u32 s0, $0xA;
	s2 =	sadd.s32 s3, s2  }
0x8d: {  	s2 =	sadd.s32 s2, s16  }
0x8e: {  	[smem:$0x3FC6] =	sst s2  }
0x8f: {  	_ = 	snop  }
0x90: {  	(tm) =	ssettm $0x1  }
0x91: {  	s17 =	sld [smem:$0x3FFB];
	_ =	sdelay $0x3  }
0x92: {  	_ =	strace s17  }
0x93: {  	s2 =	sld [smem:$0x3FFC];
	_ =	sdelay $0x3  }
0x94: {  	_ =	strace s2  }
0x95: {  	s2 =	sld [smem:$0x3FFD];
	_ =	sdelay $0x3  }
0x96: {  	_ =	strace s2  }
0x97: {  	_ =	strace $0x8FFFFFFF  }
0x98: {  	s18 =	sld [smem:$0x3FDB];
	_ =	sdelay $0x1  }
0x99: {  	s19 =	simm.s32 $_scs_section_size  }
0x9a: {  	s4 =	simm.s32 $_size__tile_overlayer_lowered;
	s5 =	simm.s32 $_tile_overlayer_lowered  }
0x9b: {  	s22 =	simm.s32 $0x1BFF;
	s21 =	sshll.u32 s5, $0x1;
	s2 =	sadd.s32 s19, s18  }
0x9c: {  	s6 =	simm.s32 $0x0;
	s20 =	sshll.u32 s4, $0x1;
	s4 =	sadd.s32 s21, s2  }
0x9d: {  	[timem:s6], [sflag:s22] =	dma.local [hbm:s4], s20  }
0x9e: {  	_ =	swait.ge [sflag:s22], s20  }
0x9f: {  	s3 =	ssub.s32 $0x0, s20;
	[sflag:s22] =	ssyncset.done $0x0  }
0xa0: {  	[sflag:s22] =	ssyncadd.s32 s3;
	_ =	sdelay $0x1  }
0xa1: {  	s23 =	simm.s32 $0x1B8B  }
0xa2: {  	_ =	swait.ge [sflag:s23], $0x1  }
0xa3: {  	[sflag:s23] =	ssyncset.done $0x0  }
0xa4: {  	s25 =	simm.s32 $0x1B8E;
	s24 =	sld [smem:$0x3FFE];
	[sflag:s23] =	ssyncadd.s32 $0xFFFFFFFF  }
0xa5: {  	s26 =	simm.s32 $execute0_lowered;
	[smem:$0x3FD2] =	sst s25  }
0xa6: {  	s4 =	sshll.u32 s26, $0x1;
	_ =	strace $0x80000046;
	[dreg:$0x1] =	wrdreg $0xFFFFFFFF  }
0xa7: {  	s28 =	simm.s32 $_size_execute0_lowered;
	s2 =	sadd.s32 s2, s4;
	[dreg:$0x0] =	wrdreg $0x0  }
0xa8: {  	s4 =	sshll.u32 s28, $0x1;
	[dreg:$0x2] =	wrdreg s2  }
0xa9: {  	[dreg:$0x3] =	wrdreg s4  }
0xaa: {  	[dreg:$0x4] =	wrdreg $0xC0  }
0xab: {  	_ =	task [dreg:s6], $0x5FFFF  }
0xac: {  	[dreg:$0x1] =	wrdreg $0xFFFFFFFF  }
0xad: {  	[dreg:$0x0] =	wrdreg $0x60  }
0xae: {  	[dreg:$0x2] =	wrdreg s24  }
0xaf: {  	[dreg:$0x3] =	wrdreg $0x9  }
0xb0: {  	_ =	task.clear_ibuf [dreg:s6], $0x4FFFF;
	_ =	strace $0x90000046  }
0xb1: {  	s29 =	simm.s32 $0x9;
	_ =	strace $0x80000048  }
0xb2: {  	_ =	swait.ge [sflag:s29], $0x1  }
0xb3: {  	[sflag:s29] =	ssyncadd.s32 $0xFFFFFFFF  }
0xb4: {  	_ =	strace $0x90000048  }
0xb5: {  	_ =	sfence  }
0xb6: {  	s30 =	sld [smem:$0x0];
	_ =	sdelay $0x2  }
0xb7: {  	s31 =	sshll.u32 s1, $0xD;
	s1 =	sshrl.u32 s1, $0x2  }
0xb8: {  	s3 =	sand.u32 $0x4000, s31;
	s1 =	sadd.s32 s1, s30  }
0xb9: {  	s0 =	sor.u32 s3, s0;
	s1 =	sshll.u32 s1, $0x11  }
0xba: {  	s0 =	sor.u32 s1, s0  }
0xbb: {  	s0 =	sadd.s32 $0x8F2B, s0  }
0xbc: {  	[sflag:s0] =	ssyncadd.remote.s32 $0x1  }
0xbd: {  	_ =	sfence.sel $0xFFFF  }
0xbe: {  	[dreg:$0x0] =	wrdreg $0xFFFFFFFF;
	(pc) =	sbr.abs _section_cstart, $3  }
0xbf: {  	[dreg:$0x1] =	wrdreg $0xFFFFFFFF  }
0xc0: {  	_ =	task.clear_ibuf [dreg:s6], $0x2FFFF;
	_ =	strace $0x9FFFFFFF  }
0xc1: {  	(tm) =	ssettm $0x7FFFFFFF  }
tec
execute0_lowered:
.L_overlay_start_1:
0x0: {  	(tag) =	ssettag $0x1  }
0x1: {  	s7 =	rddreg [dreg:$0x0]  }
0x2: {  	s0 =	rddreg [dreg:$0x1];
	s1 =	simm.s32 $0x0  }
0x3: {  	s2 =	srdreg.scid;
	s11 =	simm.s32 $0x1;
	s12 =	simm.s32 $0x0  }
0x4: {  	[smem:$0x7FF] =	sst s1;
	s3 =	sadd.s32 $0x1200, s7;
	s6 =	sand.u32 $0x1, s2  }
.Ltmp0:
0x5: {  	s4 =	sadd.s32 $0xF43600, s7;
	s2 =	stileid.u32;
	(pc) =	sbr.rel .LBB2_1-.Ltmp0, $4  }
0x6: {  	s5 =	sadd.s32 $0xF43800, s7;
	s7 =	sadd.s32 $0x16E4800, s7;
	s8 =	ssub.s32 $0x2, s6  }
0x7: {  	_ =	strace $0x80000047;
	s10 =	sshll.u32 s2, $0x1;
	s9 =	sshrl.u32 s8, $0x1  }
0x8: {  	s6 =	sor.u32 s6, s10;
	s10 =	simm.s32 $0x4000;
	s8 =	ssub.s32 s8, s9  }
0x9: {  	s9 =	simm.s32 $0x2;
	p0 =	sne.s32 s6, $0x0;
	s8 =	smax.u32 s8, $0x1  }
.LBB2_7:
0xa: {  	s13 =	simm.s32 @!p0 $0x0;
	s14 =	simm.s32 @!p0 $0x4000;
	s15 =	simm.s32 @!p0 $0x1  }
0xb: {  	[tilespmem:s14], [sflag:$0x1] =	stream.linear.gather @!p0 [hbm4b:s4+s13], $0x1000, $0x38;
	[tilespmem:$0x6000] =	vst v63  }
0xc: {  	s12 =	sadd.s32 $0x1, s12;
	_ =	swait.ge @!p0 [sflag:s15], $0x1000  }
0xd: {  	p1 =	sne.s32 s12, s8;
	[sflag:s15] =	ssyncset.done @!p0 $0x0  }
.Ltmp1:
0xe: {  	[sflag:s15] =	ssyncadd.s32 @!p0 $0xFFFFF000;
	(pc) =	sbr.rel @!p1 .LBB2_8-.Ltmp1, $4  }
0xf: {  	[hbm4b:s7+s13] =	stream.linear.scatter @!p0 [tilespmem:s14], [sflag:$0x1], $0x1000, $0x38;
	[tilespmem:$0x6000] =	vst v63  }
0x10: {  	_ =	swait.ge @!p0 [sflag:s15], $0x1000  }
0x11: {  	[sflag:s15] =	ssyncset.done @!p0 $0x0  }
0x12: {  	[sflag:s15] =	ssyncadd.s32 @!p0 $0xFFFFF000  }
.LBB2_1:
.Ltmp2:
0x13: {  	(pc) =	sbr.rel .LBB2_2-.Ltmp2, $2  }
0x14: {  	_ =	sdelay $0x2  }
0x15: {  	s13 =	simm.s32 $0x0  }
.LBB2_6:
0x16: {  	s13 =	sadd.s32 $0x1, s13  }
0x17: {  	p1 =	sne.s32 s13, $0xF5  }
.Ltmp3:
0x18: {  	_ = 	snop;
	(pc) =	sbr.rel @!p1 .LBB2_7-.Ltmp3, $1  }
0x19: {  	_ =	sdelay $0x3  }
.LBB2_2:
0x1a: {  	s14 =	sshll.u32 s13, $0x5  }
0x1b: {  	s14 =	sor.u32 s6, s14  }
0x1c: {  	p1 =	sgt.u32 s14, $0x1E83  }
.Ltmp4:
0x1d: {  	_ = 	snop;
	(pc) =	sbr.rel @p1 .LBB2_6-.Ltmp4, $1  }
0x1e: {  	_ =	sdelay $0x3  }
0x1f: {  	s15 =	sshll.u32 s14, $0xB  }
0x20: {  	s15 =	sadd.s32 s3, s15  }
0x21: {  	[tilespmem:s1], [sflag:$0x2] =	stream.linear.gather [hbm4b:s15+s1], $0x4000, $0x38;
	[tilespmem:$0x6000] =	vst v63  }
0x22: {  	_ =	swait.ge [sflag:s9], $0x4000  }
0x23: {  	[sflag:s9] =	ssyncset.done $0x0  }
0x24: {  	s17 =	simm.s32 $0x400;
	[sflag:s9] =	ssyncadd.s32 $0xFFFFC000  }
0x25: {  	v0 =	vld [tilespmem:s17+$0x300]  }
0x26: {  	v1 =	vld [tilespmem:s17+$0xFFFFFD00]  }
0x27: {  	v2 =	vld [tilespmem:s17+$0xFFFFFE00]  }
0x28: {  	v3 =	vld [tilespmem:s17+$0xFFFFFF00]  }
0x29: {  	s15 =	simm.s32 $0x4200;
	v4 =	vld [tilespmem:s17+$0x0]  }
0x2a: {  	v5 =	vld [tilespmem:s17+$0x100];
	[tilespmem:s15+$0x180] =	vst v0  }
0x2b: {  	[tilespmem:s15+$0xFFFFFE80] =	vst v1;
	v1 =	vld [tilespmem:s17+$0x200]  }
0x2c: {  	[tilespmem:s15+$0xFFFFFF00] =	vst v2;
	v2 =	vld [tilespmem:s17+$0xFFFFFC00]  }
0x2d: {  	[tilespmem:s15+$0xFFFFFF80] =	vst v3;
	v0 =	vld [tilespmem:s17+$0x310]  }
0x2e: {  	[tilespmem:s15+$0x0] =	vst v4;
	v3 =	vld [tilespmem:s17+$0xFFFFFD10]  }
0x2f: {  	[tilespmem:s15+$0x80] =	vst v5;
	v4 =	vld [tilespmem:s17+$0xFFFFFE10]  }
0x30: {  	v5 =	vld [tilespmem:s17+$0xFFFFFF10];
	[tilespmem:s15+$0x100] =	vst v1  }
0x31: {  	[tilespmem:s15+$0xFFFFFE00] =	vst v2;
	v1 =	vld [tilespmem:s17+$0x10]  }
0x32: {  	[tilespmem:s15+$0x190] =	vst v0;
	v2 =	vld [tilespmem:s17+$0xFFFFFC10]  }
0x33: {  	[tilespmem:s15+$0xFFFFFE90] =	vst v3;
	v3 =	vld [tilespmem:s17+$0x110]  }
0x34: {  	[tilespmem:s15+$0xFFFFFF10] =	vst v4;
	v0 =	vld [tilespmem:s17+$0x320]  }
0x35: {  	[tilespmem:s15+$0xFFFFFF90] =	vst v5;
	v4 =	vld [tilespmem:s17+$0x210]  }
0x36: {  	v5 =	vld [tilespmem:s17+$0xFFFFFD20];
	[tilespmem:s15+$0x10] =	vst v1  }
0x37: {  	v1 =	vld [tilespmem:s17+$0xFFFFFE20];
	[tilespmem:s15+$0xFFFFFE10] =	vst v2  }
0x38: {  	[tilespmem:s15+$0x90] =	vst v3;
	v3 =	vld [tilespmem:s17+$0xFFFFFF20]  }
0x39: {  	[tilespmem:s15+$0x1A0] =	vst v0;
	v2 =	vld [tilespmem:s17+$0xFFFFFC20]  }
0x3a: {  	[tilespmem:s15+$0x110] =	vst v4;
	v0 =	vld [tilespmem:s17+$0x330]  }
0x3b: {  	v4 =	vld [tilespmem:s17+$0x20];
	[tilespmem:s15+$0xFFFFFEA0] =	vst v5  }
0x3c: {  	v5 =	vld [tilespmem:s17+$0x120];
	[tilespmem:s15+$0xFFFFFF20] =	vst v1  }
0x3d: {  	v1 =	vld [tilespmem:s17+$0x220];
	[tilespmem:s15+$0xFFFFFFA0] =	vst v3  }
0x3e: {  	v3 =	vld [tilespmem:s17+$0xFFFFFD30];
	[tilespmem:s15+$0xFFFFFE20] =	vst v2  }
0x3f: {  	[tilespmem:s15+$0x1B0] =	vst v0;
	v2 =	vld [tilespmem:s17+$0xFFFFFC30]  }
0x40: {  	[tilespmem:s15+$0x20] =	vst v4;
	v0 =	vld [tilespmem:s17+$0x380]  }
0x41: {  	v4 =	vld [tilespmem:s17+$0xFFFFFE30];
	[tilespmem:s15+$0xA0] =	vst v5  }
0x42: {  	v5 =	vld [tilespmem:s17+$0xFFFFFF30];
	[tilespmem:s15+$0x120] =	vst v1  }
0x43: {  	v1 =	vld [tilespmem:s17+$0x30];
	[tilespmem:s15+$0xFFFFFEB0] =	vst v3  }
0x44: {  	v3 =	vld [tilespmem:s17+$0x230];
	[tilespmem:s15+$0xFFFFFE30] =	vst v2  }
0x45: {  	v2 =	vld [tilespmem:s17+$0x130];
	[tilespmem:s15+$0x1C0] =	vst v0  }
0x46: {  	[tilespmem:s15+$0xFFFFFF30] =	vst v4;
	v0 =	vld [tilespmem:s17+$0x390]  }
0x47: {  	[tilespmem:s15+$0xFFFFFFB0] =	vst v5;
	v5 =	vld [tilespmem:s17+$0xFFFFFD80]  }
0x48: {  	v4 =	vld [tilespmem:s17+$0xFFFFFC80];
	[tilespmem:s15+$0x30] =	vst v1  }
0x49: {  	v1 =	vld [tilespmem:s17+$0xFFFFFE80];
	[tilespmem:s15+$0x130] =	vst v3  }
0x4a: {  	v3 =	vld [tilespmem:s17+$0x80];
	[tilespmem:s15+$0xB0] =	vst v2  }
0x4b: {  	v2 =	vld [tilespmem:s17+$0xFFFFFF80];
	[tilespmem:s15+$0x1D0] =	vst v0  }
0x4c: {  	[tilespmem:s15+$0xFFFFFEC0] =	vst v5;
	v0 =	vld [tilespmem:s17+$0x3A0]  }
0x4d: {  	v5 =	vld [tilespmem:s17+$0x280];
	[tilespmem:s15+$0xFFFFFE40] =	vst v4  }
0x4e: {  	v4 =	vld [tilespmem:s17+$0x180];
	[tilespmem:s15+$0xFFFFFF40] =	vst v1  }
0x4f: {  	v1 =	vld [tilespmem:s17+$0xFFFFFC90];
	[tilespmem:s15+$0x40] =	vst v3  }
0x50: {  	[tilespmem:s15+$0xFFFFFFC0] =	vst v2;
	v2 =	vld [tilespmem:s17+$0xFFFFFD90]  }
0x51: {  	v3 =	vld [tilespmem:s17+$0xFFFFFE90];
	[tilespmem:s15+$0x1E0] =	vst v0  }
0x52: {  	[tilespmem:s15+$0x140] =	vst v5;
	v0 =	vld [tilespmem:s17+$0x3B0]  }
0x53: {  	v5 =	vld [tilespmem:s17+$0x90];
	[tilespmem:s15+$0xC0] =	vst v4  }
0x54: {  	v4 =	vld [tilespmem:s17+$0xFFFFFF90];
	[tilespmem:s15+$0xFFFFFE50] =	vst v1  }
0x55: {  	v1 =	vld [tilespmem:s17+$0x290];
	[tilespmem:s15+$0xFFFFFED0] =	vst v2  }
0x56: {  	[tilespmem:s15+$0xFFFFFF50] =	vst v3;
	v3 =	vld [tilespmem:s17+$0xFFFFFDA0]  }
0x57: {  	[tilespmem:s15+$0x1F0] =	vst v0;
	v0 =	vld [tilespmem:s17+$0x190]  }
0x58: {  	[tilespmem:s15+$0x50] =	vst v5;
	v2 =	vld [tilespmem:s17+$0xFFFFFCA0]  }
0x59: {  	v6 =	vld [tilespmem:s17+$0xA0];
	[tilespmem:s15+$0xFFFFFFD0] =	vst v4  }
0x5a: {  	v4 =	vld [tilespmem:s17+$0xFFFFFEA0];
	[tilespmem:s15+$0x150] =	vst v1  }
0x5b: {  	v5 =	vld [tilespmem:s17+$0xFFFFFFA0];
	[tilespmem:s15+$0xFFFFFEE0] =	vst v3  }
0x5c: {  	v3 =	vld [tilespmem:s17+$0x2A0];
	[tilespmem:s15+$0xD0] =	vst v0  }
0x5d: {  	[tilespmem:s15+$0xFFFFFE60] =	vst v2;
	v2 =	vld [tilespmem:s17+$0x1A0]  }
0x5e: {  	[tilespmem:s15+$0x60] =	vst v6;
	v7 =	vld [tilespmem:s17+$0xFFFFFCB0]  }
0x5f: {  	[tilespmem:s15+$0xFFFFFF60] =	vst v4;
	v4 =	vld [tilespmem:s17+$0xFFFFFDB0]  }
0x60: {  	[tilespmem:s15+$0xFFFFFFE0] =	vst v5;
	v0 =	vld [tilespmem:s17+$0xFFFFFEB0]  }
0x61: {  	v1 =	vld [tilespmem:s17+$0xFFFFFFB0];
	[tilespmem:s15+$0x160] =	vst v3  }
0x62: {  	[tilespmem:s15+$0xE0] =	vst v2;
	v2 =	vld [tilespmem:s17+$0xB0]  }
0x63: {  	[tilespmem:s15+$0xFFFFFE70] =	vst v7;
	v3 =	vld [tilespmem:s17+$0x1B0]  }
0x64: {  	s16 =	simm.s32 $0x0;
	[tilespmem:s15+$0xFFFFFEF0] =	vst v4;
	v4 =	vld [tilespmem:s17+$0x2B0];
	s17 =	simm.s32 $0xC00  }
.LBB2_4:
0x65: {  	v5 =	vld [tilespmem:s17+$0x300];
	s16 =	sadd.s32 $0x8, s16;
	[tilespmem:s15+$0xFFFFFF70] =	vst v0  }
0x66: {  	v0 =	vld [tilespmem:s17+$0xFFFFFD00];
	p1 =	slt.u32 s16, $0x38;
	[tilespmem:s15+$0xFFFFFFF0] =	vst v1  }
0x67: {  	v1 =	vld [tilespmem:s17+$0xFFFFFE00];
	[tilespmem:s15+$0x70] =	vst v2  }
0x68: {  	v2 =	vld [tilespmem:s17+$0xFFFFFF00];
	[tilespmem:s15+$0xF0] =	vst v3  }
0x69: {  	v3 =	vld [tilespmem:s17+$0x0];
	[tilespmem:s15+$0x170] =	vst v4;
	s15 =	sadd.s32 $0x400, s15  }
0x6a: {  	v4 =	vld [tilespmem:s17+$0x100];
	[tilespmem:s15+$0x180] =	vst v5  }
0x6b: {  	[tilespmem:s15+$0xFFFFFE80] =	vst v0;
	v0 =	vld [tilespmem:s17+$0x310]  }
0x6c: {  	[tilespmem:s15+$0xFFFFFF00] =	vst v1;
	v1 =	vld [tilespmem:s17+$0x200]  }
0x6d: {  	v5 =	vld [tilespmem:s17+$0xFFFFFC00];
	[tilespmem:s15+$0xFFFFFF80] =	vst v2  }
0x6e: {  	v2 =	vld [tilespmem:s17+$0xFFFFFD10];
	[tilespmem:s15+$0x0] =	vst v3  }
0x6f: {  	v3 =	vld [tilespmem:s17+$0xFFFFFE10];
	[tilespmem:s15+$0x80] =	vst v4  }
0x70: {  	v4 =	vld [tilespmem:s17+$0xFFFFFF10];
	[tilespmem:s15+$0x190] =	vst v0  }
0x71: {  	[tilespmem:s15+$0x100] =	vst v1;
	v0 =	vld [tilespmem:s17+$0x320]  }
0x72: {  	[tilespmem:s15+$0xFFFFFE00] =	vst v5;
	v1 =	vld [tilespmem:s17+$0x10]  }
0x73: {  	v5 =	vld [tilespmem:s17+$0xFFFFFC10];
	[tilespmem:s15+$0xFFFFFE90] =	vst v2  }
0x74: {  	[tilespmem:s15+$0xFFFFFF10] =	vst v3;
	v2 =	vld [tilespmem:s17+$0x110]  }
0x75: {  	[tilespmem:s15+$0xFFFFFF90] =	vst v4;
	v3 =	vld [tilespmem:s17+$0x210]  }
0x76: {  	v4 =	vld [tilespmem:s17+$0xFFFFFD20];
	[tilespmem:s15+$0x1A0] =	vst v0  }
0x77: {  	[tilespmem:s15+$0x10] =	vst v1;
	v0 =	vld [tilespmem:s17+$0x330]  }
0x78: {  	[tilespmem:s15+$0xFFFFFE10] =	vst v5;
	v1 =	vld [tilespmem:s17+$0xFFFFFE20]  }
0x79: {  	v5 =	vld [tilespmem:s17+$0xFFFFFC20];
	[tilespmem:s15+$0x90] =	vst v2  }
0x7a: {  	v2 =	vld [tilespmem:s17+$0xFFFFFF20];
	[tilespmem:s15+$0x110] =	vst v3  }
0x7b: {  	[tilespmem:s15+$0xFFFFFEA0] =	vst v4;
	v3 =	vld [tilespmem:s17+$0x20]  }
0x7c: {  	v4 =	vld [tilespmem:s17+$0x120];
	[tilespmem:s15+$0x1B0] =	vst v0  }
0x7d: {  	[tilespmem:s15+$0xFFFFFF20] =	vst v1;
	v0 =	vld [tilespmem:s17+$0x380]  }
0x7e: {  	[tilespmem:s15+$0xFFFFFE20] =	vst v5;
	v1 =	vld [tilespmem:s17+$0x220]  }
0x7f: {  	v5 =	vld [tilespmem:s17+$0xFFFFFC30];
	[tilespmem:s15+$0xFFFFFFA0] =	vst v2  }
0x80: {  	v2 =	vld [tilespmem:s17+$0xFFFFFD30];
	[tilespmem:s15+$0x20] =	vst v3  }
0x81: {  	v3 =	vld [tilespmem:s17+$0xFFFFFE30];
	[tilespmem:s15+$0xA0] =	vst v4  }
0x82: {  	v4 =	vld [tilespmem:s17+$0xFFFFFF30];
	[tilespmem:s15+$0x1C0] =	vst v0  }
0x83: {  	[tilespmem:s15+$0x120] =	vst v1;
	v0 =	vld [tilespmem:s17+$0x390]  }
0x84: {  	[tilespmem:s15+$0xFFFFFE30] =	vst v5;
	v1 =	vld [tilespmem:s17+$0x30]  }
0x85: {  	[tilespmem:s15+$0xFFFFFEB0] =	vst v2;
	v2 =	vld [tilespmem:s17+$0x130]  }
0x86: {  	[tilespmem:s15+$0xFFFFFF30] =	vst v3;
	v3 =	vld [tilespmem:s17+$0x230]  }
0x87: {  	v5 =	vld [tilespmem:s17+$0xFFFFFC80];
	[tilespmem:s15+$0xFFFFFFB0] =	vst v4  }
0x88: {  	v4 =	vld [tilespmem:s17+$0xFFFFFD80];
	[tilespmem:s15+$0x1D0] =	vst v0  }
0x89: {  	[tilespmem:s15+$0x30] =	vst v1;
	v0 =	vld [tilespmem:s17+$0x3A0]  }
0x8a: {  	v1 =	vld [tilespmem:s17+$0xFFFFFE80];
	[tilespmem:s15+$0xB0] =	vst v2  }
0x8b: {  	v2 =	vld [tilespmem:s17+$0xFFFFFF80];
	[tilespmem:s15+$0x130] =	vst v3  }
0x8c: {  	[tilespmem:s15+$0xFFFFFE40] =	vst v5;
	v3 =	vld [tilespmem:s17+$0x80]  }
0x8d: {  	[tilespmem:s15+$0xFFFFFEC0] =	vst v4;
	v4 =	vld [tilespmem:s17+$0x180]  }
0x8e: {  	v5 =	vld [tilespmem:s17+$0x280];
	[tilespmem:s15+$0x1E0] =	vst v0  }
0x8f: {  	[tilespmem:s15+$0xFFFFFF40] =	vst v1;
	v0 =	vld [tilespmem:s17+$0x3B0]  }
0x90: {  	v1 =	vld [tilespmem:s17+$0xFFFFFC90];
	[tilespmem:s15+$0xFFFFFFC0] =	vst v2  }
0x91: {  	v2 =	vld [tilespmem:s17+$0xFFFFFD90];
	[tilespmem:s15+$0x40] =	vst v3  }
0x92: {  	v3 =	vld [tilespmem:s17+$0xFFFFFE90];
	[tilespmem:s15+$0xC0] =	vst v4  }
0x93: {  	v4 =	vld [tilespmem:s17+$0xFFFFFF90];
	[tilespmem:s15+$0x140] =	vst v5  }
0x94: {  	v5 =	vld [tilespmem:s17+$0x90];
	[tilespmem:s15+$0x1F0] =	vst v0  }
0x95: {  	[tilespmem:s15+$0xFFFFFE50] =	vst v1;
	v0 =	vld [tilespmem:s17+$0x190]  }
0x96: {  	[tilespmem:s15+$0xFFFFFED0] =	vst v2;
	v1 =	vld [tilespmem:s17+$0x290]  }
0x97: {  	v2 =	vld [tilespmem:s17+$0xFFFFFCA0];
	[tilespmem:s15+$0xFFFFFF50] =	vst v3  }
0x98: {  	v3 =	vld [tilespmem:s17+$0xFFFFFDA0];
	[tilespmem:s15+$0xFFFFFFD0] =	vst v4  }
0x99: {  	v4 =	vld [tilespmem:s17+$0xFFFFFEA0];
	[tilespmem:s15+$0x50] =	vst v5  }
0x9a: {  	v5 =	vld [tilespmem:s17+$0xFFFFFFA0];
	[tilespmem:s15+$0xD0] =	vst v0  }
0x9b: {  	v6 =	vld [tilespmem:s17+$0xA0];
	[tilespmem:s15+$0x150] =	vst v1  }
0x9c: {  	[tilespmem:s15+$0xFFFFFE60] =	vst v2;
	v2 =	vld [tilespmem:s17+$0x1A0]  }
0x9d: {  	[tilespmem:s15+$0xFFFFFEE0] =	vst v3;
	v3 =	vld [tilespmem:s17+$0x2A0]  }
0x9e: {  	v7 =	vld [tilespmem:s17+$0xFFFFFCB0];
	[tilespmem:s15+$0xFFFFFF60] =	vst v4  }
0x9f: {  	v4 =	vld [tilespmem:s17+$0xFFFFFDB0];
	[tilespmem:s15+$0xFFFFFFE0] =	vst v5  }
.Ltmp5:
0xa0: {  	v0 =	vld [tilespmem:s17+$0xFFFFFEB0];
	[tilespmem:s15+$0x60] =	vst v6;
	(pc) =	sbr.rel @p1 .LBB2_4-.Ltmp5, $4  }
0xa1: {  	v1 =	vld [tilespmem:s17+$0xFFFFFFB0];
	[tilespmem:s15+$0xE0] =	vst v2  }
0xa2: {  	v2 =	vld [tilespmem:s17+$0xB0];
	[tilespmem:s15+$0x160] =	vst v3  }
0xa3: {  	[tilespmem:s15+$0xFFFFFE70] =	vst v7;
	v3 =	vld [tilespmem:s17+$0x1B0]  }
0xa4: {  	[tilespmem:s15+$0xFFFFFEF0] =	vst v4;
	v4 =	vld [tilespmem:s17+$0x2B0];
	s17 =	sadd.s32 $0x800, s17  }
0xa5: {  	[tilespmem:s15+$0xFFFFFF70] =	vst v0  }
0xa6: {  	[tilespmem:s15+$0xFFFFFFF0] =	vst v1  }
0xa7: {  	[tilespmem:s15+$0x70] =	vst v2  }
0xa8: {  	s14 =	sshll.u32 s14, $0xA;
	[tilespmem:s15+$0xF0] =	vst v3  }
.Ltmp6:
0xa9: {  	s14 =	sadd.s32 s5, s14;
	[tilespmem:s15+$0x170] =	vst v4;
	(pc) =	sbr.rel .LBB2_6-.Ltmp6, $4  }
0xaa: {  	[hbm4b:s14+s1] =	stream.linear.scatter [tilespmem:s10], [sflag:$0x1], $0x2000, $0x38;
	[tilespmem:$0x6000] =	vst v63  }
0xab: {  	_ =	swait.ge [sflag:s11], $0x2000  }
0xac: {  	[sflag:s11] =	ssyncset.done $0x0  }
0xad: {  	[sflag:s11] =	ssyncadd.s32 $0xFFFFE000  }
.LBB2_8:
0xae: {  	_ =	sfence.sel $0x180000  }
0xaf: {  	[bflag:$0x0] =	sbarrier.arrive $0xFFFF  }
0xb0: {  	p0 =	sne.s32 s2, $0x0;
	_ =	strace $0x90000047  }
0xb1: {  	s0 =	sadd.s32 @!p0 $0x100000, s0;
	[bflag:$0x2] =	sbarrier.arrive $0xFFFF  }
0xb2: {  	[sflag:s0] =	ssyncadd.tile.s32 @!p0 $0x1;
	_ =	shalt  }
.Lfunc_end2:
_tile_overlayer_lowered:
.L_overlay_start_2:
0xb3: {  	(tag) =	ssettag $0x2  }
0xb4: {  	s0 =	rddreg [dreg:$0x0];
	s2 =	stileid.u32  }
0xb5: {  	s1 =	rddreg [dreg:$0x1];
	p0 =	sne.s32 s2, $0x0  }
0xb6: {  	s3 =	rddreg [dreg:$0x2];
	[bflag:$0x3] =	sbarrier.arrive $0xFFFF;
	s2 =	simm.s32 @!p0 $0x1C01  }
0xb7: {  	[timem:s3], [sflag:s2] =	dma.local @!p0 [hbm:s0], s1  }
0xb8: {  	s0 =	simm.s32 @!p0 $0x1  }
0xb9: {  	_ =	swait.ge @!p0 [sflag:s0], s1  }
0xba: {  	s1 =	ssub.s32 @!p0 $0x0, s1;
	[sflag:s0] =	ssyncset.done @!p0 $0x0  }
0xbb: {  	[sflag:s0] =	ssyncadd.s32 @!p0 s1  }
0xbc: {  	[bflag:$0x3] =	sbarrier.arrive $0xFFFF  }
0xbd: {  	_ =	shalt  }

// kernel: kernel.7.cloned.1.call-start
scs
__scs_entry_jumppad:
0x0: {  	(pc) =	sbr.rel $0x88, $3  }
0x1: {  	(tag) =	ssettag $0x0;
	lr =	simm.s32 $0x1  }
0x2: {  	[smem:$0x3F9F] =	sst lr;
	_ =	strace $0xD0000000  }
0x3: {  	_ = 	snop  }
0x4: {  	_ = 	snop  }
0x5: {  	_ = 	snop  }
0x6: {  	_ = 	snop  }
0x7: {  	_ = 	snop  }
__scs_overlays_trampoline_lowered:
0x8: {  	[smem:$0x3FAE] =	sst s0  }
0x9: {  	[smem:$0x3FAF] =	sst s1  }
0xa: {  	[smem:$0x3FB0] =	sst s2  }
0xb: {  	[smem:$0x3FB1] =	sst s3  }
0xc: {  	[smem:$0x3FB2] =	sst s4  }
0xd: {  	[smem:$0x3FB3] =	sst s5  }
0xe: {  	[smem:$0x3FB4] =	sst s6  }
0xf: {  	[smem:$0x3FB5] =	sst s7  }
0x10: {  	[smem:$0x3FB6] =	sst s8  }
0x11: {  	[smem:$0x3FB7] =	sst s9;
	s0 =	simm.s32 @!p0 $0x0  }
0x12: {  	s1 =	sld [smem:$0x3F9D];
	s0 =	simm.s32 @p0 $0x1  }
0x13: {  	[smem:$0x3FB8] =	sst s0;
	s0 =	simm.s32 @!p1 $0x0  }
0x14: {  	s2 =	sld [smem:$0x3F9C];
	s0 =	simm.s32 @p1 $0x1  }
0x15: {  	[smem:$0x3FB9] =	sst s0;
	s0 =	simm.s32 @!p2 $0x0  }
0x16: {  	s3 =	sld [smem:$0x3FDB];
	s0 =	simm.s32 @p2 $0x1  }
0x17: {  	s4 =	simm.s32 $0x1BF5;
	[smem:$0x3FBB] =	sst s0  }
0x18: {  	s0 =	sld [smem:$0x3F9E];
	_ =	swait.ge [sflag:s4], $0x0  }
0x19: {  	s7 =	sld [smem:$0x3F9F]  }
0x1a: {  	s8 =	sadd.s32 $0xFFFFE003, lr  }
0x1b: {  	s9 =	sadd.s32 $0xFFFFFEF7, lr;
	s5 =	simm.s32 $0xFFFFFFFF;
	p2 =	slt.u32 s8, $0xFFFFF086  }
0x1c: {  	p1 =	slt.u32 s9, $0xF7A;
	s5 =	simm.s32 @!p2 $0x0  }
0x1d: {  	s5 =	simm.s32 @p1 $0x1;
	p0 =	seq.s32 s7, s2  }
0x1e: {  	s7 =	smul.u32 @!p0 $0xF7A, s2;
	p2 =	seq.s32 @!p0 s5, $0x0  }
0x1f: {  	s9 =	smul.u32 $0xF7A, s1;
	s8 =	simm.s32 @!p0 $0x1BF5;
	p2 =	por !p2, p0  }
0x20: {  	[sflag:s8] =	ssyncset.s32 @!p0 $0xFFFFF086;
	s6 =	sadd.s32 @!p0 s3, s7;
	s7 =	simm.s32 @!p0 $0x108  }
0x21: {  	s3 =	sadd.s32 s3, s9;
	s6 =	sadd.s32 @!p0 $0x88, s6;
	s7 =	simm.s32 @p2 $0x1082  }
0x22: {  	[simem:s7], [sflag:s8] =	dma.local @!p0 [hbm:s6], $0xF7A  }
0x23: {  	s9 =	sor.u32 $0xD0000000, s2;
	s6 =	simm.s32 $0x108;
	_ =	swait.ge @!p0 [sflag:s8], $0x0  }
0x24: {  	s3 =	sadd.s32 $0x88, s3;
	s6 =	simm.s32 @!p1 $0x1082;
	[sflag:s4] =	ssyncset.s32 $0xFFFFF086  }
0x25: {  	[simem:s6], [sflag:s4] =	dma.local [hbm:s3], $0xF7A  }
0x26: {  	[smem:$0x3F9F] =	sst s1;
	(tag) =	ssettag s2;
	_ =	strace s9  }
0x27: {  	s1 =	sld [smem:$0x3FAF]  }
0x28: {  	s2 =	sld [smem:$0x3FB0]  }
0x29: {  	s4 =	sld [smem:$0x3FB2]  }
0x2a: {  	p0 =	seq.s32 s5, $0x0;
	s5 =	sld [smem:$0x3FB3]  }
0x2b: {  	s6 =	sld [smem:$0x3FB4]  }
0x2c: {  	s7 =	sld [smem:$0x3FB5]  }
0x2d: {  	s3 =	simm.s32 $0x108;
	s8 =	sld [smem:$0x3FB6]  }
0x2e: {  	s3 =	simm.s32 @!p0 $0x1082;
	s9 =	sld [smem:$0x3FB7]  }
0x2f: {  	lr =	sadd.s32 s0, s3;
	s0 =	sld [smem:$0x3FAE]  }
0x30: {  	s3 =	sld [smem:$0x3FB1]  }
0x31: {  	[smem:$0x3FBA] =	sst s10  }
0x32: {  	s10 =	sld [smem:$0x3FB8];
	_ =	sdelay $0x3  }
0x33: {  	p0 =	seq.s32 s10, $0x1;
	s10 =	sld [smem:$0x3FBA];
	_ =	sdelay $0x3  }
0x34: {  	[smem:$0x3FBA] =	sst s10  }
0x35: {  	s10 =	sld [smem:$0x3FB9];
	_ =	sdelay $0x3  }
0x36: {  	p1 =	seq.s32 s10, $0x1;
	s10 =	sld [smem:$0x3FBA];
	_ =	sdelay $0x3  }
0x37: {  	[smem:$0x3FBA] =	sst s10  }
0x38: {  	s10 =	sld [smem:$0x3FBB]  }
0x39: {  	_ = 	snop;
	(pc) =	sbr.ind lr, $3  }
0x3a: {  	_ = 	snop  }
0x3b: {  	_ = 	snop  }
0x3c: {  	p2 =	seq.s32 s10, $0x1;
	s10 =	sld [smem:$0x3FBA]  }
0x3d: {  	_ =	shalt  }
0x3e: {  	_ =	shalt  }
0x3f: {  	_ =	shalt  }
0x40: {  	_ =	shalt  }
0x41: {  	_ =	shalt  }
0x42: {  	_ =	shalt  }
0x43: {  	_ =	shalt  }
0x44: {  	_ =	shalt  }
0x45: {  	_ =	shalt  }
0x46: {  	_ =	shalt  }
0x47: {  	_ =	shalt  }
0x48: {  	_ =	shalt  }
0x49: {  	_ =	shalt  }
0x4a: {  	_ =	shalt  }
0x4b: {  	_ =	shalt  }
0x4c: {  	_ =	shalt  }
0x4d: {  	_ =	shalt  }
0x4e: {  	_ =	shalt  }
0x4f: {  	_ =	shalt  }
0x50: {  	_ =	shalt  }
0x51: {  	_ =	shalt  }
0x52: {  	_ =	shalt  }
0x53: {  	_ =	shalt  }
0x54: {  	_ =	shalt  }
0x55: {  	_ =	shalt  }
0x56: {  	_ =	shalt  }
0x57: {  	_ =	shalt  }
0x58: {  	_ =	shalt  }
0x59: {  	_ =	shalt  }
0x5a: {  	_ =	shalt  }
0x5b: {  	_ =	shalt  }
0x5c: {  	_ =	shalt  }
0x5d: {  	_ =	shalt  }
0x5e: {  	_ =	shalt  }
0x5f: {  	_ =	shalt  }
0x60: {  	_ =	shalt  }
0x61: {  	_ =	shalt  }
0x62: {  	_ =	shalt  }
0x63: {  	_ =	shalt  }
0x64: {  	_ =	shalt  }
0x65: {  	_ =	shalt  }
0x66: {  	_ =	shalt  }
0x67: {  	_ =	shalt  }
0x68: {  	_ =	shalt  }
0x69: {  	_ =	shalt  }
0x6a: {  	_ =	shalt  }
0x6b: {  	_ =	shalt  }
0x6c: {  	_ =	shalt  }
0x6d: {  	_ =	shalt  }
0x6e: {  	_ =	shalt  }
0x6f: {  	_ =	shalt  }
0x70: {  	_ =	shalt  }
0x71: {  	_ =	shalt  }
0x72: {  	_ =	shalt  }
0x73: {  	_ =	shalt  }
0x74: {  	_ =	shalt  }
0x75: {  	_ =	shalt  }
0x76: {  	_ =	shalt  }
0x77: {  	_ =	shalt  }
0x78: {  	_ =	shalt  }
0x79: {  	_ =	shalt  }
0x7a: {  	_ =	shalt  }
0x7b: {  	_ =	shalt  }
0x7c: {  	_ =	shalt  }
0x7d: {  	_ =	shalt  }
0x7e: {  	_ =	shalt  }
0x7f: {  	_ =	shalt  }
0x80: {  	_ =	shalt  }
0x81: {  	_ =	shalt  }
0x82: {  	_ =	shalt  }
0x83: {  	_ =	shalt  }
0x84: {  	_ =	shalt  }
0x85: {  	_ =	shalt  }
0x86: {  	_ =	shalt  }
0x87: {  	_ =	shalt  }
.Lfunc_end0:
.L_simem_size_0:
called_computation.2_lowered:
.L_overlay_start_0:
0x88: {  	s2 =	sld [smem:$0x3FD9]  }
0x89: {  	s3 =	sld [smem:$0x3FFE];
	_ =	sdelay $0x1  }
0x8a: {  	s1 =	srdreg.scid  }
0x8b: {  	s0 =	sand.u32 $0x1, s1  }
0x8c: {  	s17 =	sshll.u32 s0, $0xA;
	s2 =	sadd.s32 s3, s2  }
0x8d: {  	s2 =	sadd.s32 s2, s17  }
0x8e: {  	[smem:$0x3FC6] =	sst s2  }
0x8f: {  	_ = 	snop  }
0x90: {  	s2 =	sld [smem:$0x3FD0];
	(tm) =	ssettm $0x1  }
0x91: {  	s18 =	sld [smem:$0x3FFB];
	_ =	sdelay $0x3  }
0x92: {  	_ =	strace s18  }
0x93: {  	s3 =	sld [smem:$0x3FFC];
	_ =	sdelay $0x3  }
0x94: {  	_ =	strace s3  }
0x95: {  	s3 =	sld [smem:$0x3FFD];
	_ =	sdelay $0x3  }
0x96: {  	_ =	strace s3  }
0x97: {  	_ =	strace $0x8FFFFFFF  }
0x98: {  	s19 =	sld [smem:$0x3FDB];
	_ =	sdelay $0x1  }
0x99: {  	s4 =	simm.s32 $_scs_section_size  }
0x9a: {  	s5 =	simm.s32 $_size__tile_overlayer_lowered;
	s6 =	simm.s32 $_tile_overlayer_lowered  }
0x9b: {  	s22 =	simm.s32 $0x1BFF;
	s21 =	sshll.u32 s6, $0x1;
	s3 =	sadd.s32 s4, s19  }
0x9c: {  	s7 =	simm.s32 $0x0;
	s20 =	sshll.u32 s5, $0x1;
	s5 =	sadd.s32 s21, s3  }
0x9d: {  	[timem:s7], [sflag:s22] =	dma.local [hbm:s5], s20  }
0x9e: {  	_ =	swait.ge [sflag:s22], s20  }
0x9f: {  	s4 =	ssub.s32 $0x0, s20;
	[sflag:s22] =	ssyncset.done $0x0  }
0xa0: {  	[sflag:s22] =	ssyncadd.s32 s4;
	_ =	sdelay $0x1  }
0xa1: {  	s23 =	simm.s32 $0x1B8B  }
0xa2: {  	_ =	swait.ge [sflag:s23], $0x1  }
0xa3: {  	[sflag:s23] =	ssyncset.done $0x0  }
0xa4: {  	s25 =	simm.s32 $0x1B8E;
	s24 =	sld [smem:$0x3FFE];
	[sflag:s23] =	ssyncadd.s32 $0xFFFFFFFF  }
0xa5: {  	s26 =	simm.s32 $execute0_lowered;
	[smem:$0x3FD2] =	sst s25  }
0xa6: {  	s5 =	sshll.u32 s26, $0x1;
	_ =	strace $0x80000049;
	[dreg:$0x1] =	wrdreg $0xFFFFFFFF  }
0xa7: {  	s28 =	simm.s32 $_size_execute0_lowered;
	s3 =	sadd.s32 s3, s5;
	[dreg:$0x0] =	wrdreg $0x0  }
0xa8: {  	s5 =	sshll.u32 s28, $0x1;
	[dreg:$0x2] =	wrdreg s3  }
0xa9: {  	[dreg:$0x3] =	wrdreg s5  }
0xaa: {  	[dreg:$0x4] =	wrdreg $0xC0  }
0xab: {  	_ =	task [dreg:s7], $0x5FFFF  }
0xac: {  	[dreg:$0x1] =	wrdreg $0xFFFFFFFF  }
0xad: {  	[dreg:$0x0] =	wrdreg $0x60  }
0xae: {  	[dreg:$0x2] =	wrdreg s2  }
0xaf: {  	[dreg:$0x3] =	wrdreg s24  }
0xb0: {  	[dreg:$0x4] =	wrdreg $0x9  }
0xb1: {  	_ =	task.clear_ibuf [dreg:s7], $0x5FFFF;
	_ =	strace $0x90000049  }
0xb2: {  	s29 =	simm.s32 $0x9;
	_ =	strace $0x8000004B  }
0xb3: {  	_ =	swait.ge [sflag:s29], $0x1  }
0xb4: {  	[sflag:s29] =	ssyncadd.s32 $0xFFFFFFFF  }
0xb5: {  	_ =	strace $0x9000004B  }
0xb6: {  	_ =	sfence  }
0xb7: {  	s30 =	sld [smem:$0x0];
	_ =	sdelay $0x2  }
0xb8: {  	s31 =	sshll.u32 s1, $0xD;
	s1 =	sshrl.u32 s1, $0x2  }
0xb9: {  	s3 =	sand.u32 $0x4000, s31;
	s1 =	sadd.s32 s1, s30  }
0xba: {  	s0 =	sor.u32 s3, s0;
	s1 =	sshll.u32 s1, $0x11  }
0xbb: {  	s0 =	sor.u32 s1, s0  }
0xbc: {  	s0 =	sadd.s32 $0x8F2B, s0  }
0xbd: {  	[sflag:s0] =	ssyncadd.remote.s32 $0x1  }
0xbe: {  	_ =	sfence.sel $0xFFFF  }
0xbf: {  	[dreg:$0x0] =	wrdreg $0xFFFFFFFF;
	(pc) =	sbr.abs _section_cstart, $3  }
0xc0: {  	[dreg:$0x1] =	wrdreg $0xFFFFFFFF  }
0xc1: {  	_ =	task.clear_ibuf [dreg:s7], $0x2FFFF;
	_ =	strace $0x9FFFFFFF  }
0xc2: {  	(tm) =	ssettm $0x7FFFFFFF  }
0xc3: {  	_ =	shalt  }
tec
execute0_lowered:
.L_overlay_start_1:
0x0: {  	(tag) =	ssettag $0x1  }
0x1: {  	s4 =	rddreg [dreg:$0x0]  }
0x2: {  	s5 =	rddreg [dreg:$0x1]  }
0x3: {  	s0 =	rddreg [dreg:$0x2]  }
0x4: {  	s3 =	srdreg.scid;
	s1 =	stileid.u32;
	s2 =	simm.s32 $0x0  }
0x5: {  	s12 =	simm.s32 $0x280;
	s13 =	simm.s32 $0x6400;
	s14 =	simm.s32 $0x10400  }
0x6: {  	s15 =	simm.s32 $0x1;
	s16 =	simm.s32 $0x40;
	s17 =	simm.s32 $0x80  }
0x7: {  	s18 =	simm.s32 $0x3;
	s19 =	simm.s32 $0x500;
	s20 =	simm.s32 $0x2  }
0x8: {  	s21 =	simm.s32 $0x4;
	s22 =	simm.s32 $0x6180;
	s23 =	simm.s32 $0x0  }
0x9: {  	s6 =	sand.u32 $0x1, s3;
	s29 =	sshll.u32 s1, $0x1;
	[smem:$0x7FF] =	sst s2  }
0xa: {  	s3 =	sadd.s32 $0xF43800, s5;
	s11 =	smul.u32 $0xC8000, s1;
	s7 =	sor.u32 s6, s29  }
0xb: {  	s10 =	sadd.s32 $0x1200, s5;
	s9 =	ssub.s32 $0x2, s6;
	s8 =	smul.u32 $0xC80, s7  }
0xc: {  	_ =	strace $0x8000004A;
	s7 =	smul.u32 $0x64000, s7;
	s30 =	sshrl.u32 s9, $0x1  }
0xd: {  	s31 =	smul.u32 $0x64000, s6;
	s5 =	ssub.s32 s9, s30;
	s4 =	sadd.s32 s4, s8  }
0xe: {  	s5 =	smax.u32 s5, $0x1;
	s6 =	sadd.s32 s10, s7;
	s10 =	sadd.s32 s11, s10  }
0xf: {  	s11 =	simm.s32 $0x5;
	s7 =	sadd.s32 $0x2800, s6;
	s10 =	sadd.s32 s31, s10  }
0x10: {  	s8 =	sadd.s32 $0x5F000, s6;
	s9 =	sadd.s32 $0x61800, s6;
	s10 =	sadd.s32 $0x7800, s10  }
.LBB2_1:
0x11: {  	[tilespmem:s2], [sflag:$0x5] =	stream.linear.gather [hbm4b:s4+s2], $0x6400, $0x38;
	[tilespmem:$0x1A400] =	vst v63  }
0x12: {  	_ =	swait.ge [sflag:s11], $0x6400  }
0x13: {  	[sflag:s11] =	ssyncset.done $0x0  }
0x14: {  	[sflag:s11] =	ssyncadd.s32 $0xFFFF9C00  }
0x15: {  	[tilespmem:s13], [sflag:$0x1] =	stream.indirect.gather [hbm4b:s3+s12], $0x40, s2, s12, $0xb8;
	[tilespmem:$0x1A400] =	vst v63  }
0x16: {  	_ = 	snop  }
0x17: {  	[tilespmem:s14], [sflag:$0x2] =	stream.indirect.gather [hbm4b:s3+s12], $0x40, s12, s12, $0xb8;
	[tilespmem:$0x1A400] =	vst v63  }
0x18: {  	_ =	swait.ge [sflag:s15], $0xA000  }
0x19: {  	[sflag:s15] =	ssyncset.done $0x0  }
0x1a: {  	[sflag:s15] =	ssyncadd.s32 $0xFFFF6000  }
0x1b: {  	[hbm4b:s6+s16] =	stream.strided.scatter [tilespmem:s13], [sflag:$0x3], $0xA000, s17, s16, $0x38;
	[tilespmem:$0x1A400] =	vst v63  }
0x1c: {  	_ =	swait.ge [sflag:s18], $0xA000  }
0x1d: {  	[sflag:s18] =	ssyncset.done $0x0  }
0x1e: {  	[sflag:s18] =	ssyncadd.s32 $0xFFFF6000  }
0x1f: {  	[tilespmem:s13], [sflag:$0x1] =	stream.indirect.gather [hbm4b:s3+s12], $0x40, s19, s12, $0xb8;
	[tilespmem:$0x1A400] =	vst v63  }
0x20: {  	_ =	swait.ge [sflag:s20], $0xA000  }
0x21: {  	[sflag:s20] =	ssyncset.done $0x0  }
0x22: {  	[sflag:s20] =	ssyncadd.s32 $0xFFFF6000  }
0x23: {  	[hbm4b:s7+s16] =	stream.strided.scatter [tilespmem:s14], [sflag:$0x4], $0xA000, s17, s16, $0x38;
	[tilespmem:$0x1A400] =	vst v63  }
0x24: {  	_ =	swait.ge [sflag:s21], $0xA000  }
0x25: {  	[sflag:s21] =	ssyncset.done $0x0  }
0x26: {  	s24 =	simm.s32 $0x780;
	[sflag:s21] =	ssyncadd.s32 $0xFFFF6000  }
0x27: {  	[tilespmem:s14], [sflag:$0x2] =	stream.indirect.gather [hbm4b:s3+s12], $0x40, s24, s12, $0xb8;
	[tilespmem:$0x1A400] =	vst v63  }
0x28: {  	_ =	swait.ge [sflag:s15], $0xA000  }
0x29: {  	[sflag:s15] =	ssyncset.done $0x0  }
0x2a: {  	s30 =	sadd.s32 $0xFFFFD800, s10;
	[sflag:s15] =	ssyncadd.s32 $0xFFFF6000  }
0x2b: {  	[hbm4b:s30+s16] =	stream.strided.scatter [tilespmem:s13], [sflag:$0x3], $0xA000, s17, s16, $0x38;
	[tilespmem:$0x1A400] =	vst v63  }
0x2c: {  	_ =	swait.ge [sflag:s18], $0xA000  }
0x2d: {  	[sflag:s18] =	ssyncset.done $0x0  }
0x2e: {  	s31 =	simm.s32 $0xA00;
	[sflag:s18] =	ssyncadd.s32 $0xFFFF6000  }
0x2f: {  	[tilespmem:s13], [sflag:$0x1] =	stream.indirect.gather [hbm4b:s3+s12], $0x40, s31, s12, $0xb8;
	[tilespmem:$0x1A400] =	vst v63  }
0x30: {  	_ =	swait.ge [sflag:s20], $0xA000  }
0x31: {  	s25 =	sadd.s32 $0x5000, s10;
	[sflag:s20] =	ssyncset.done $0x0  }
0x32: {  	s26 =	smov.u32 s10;
	s24 =	simm.s32 $0x1400;
	[sflag:s20] =	ssyncadd.s32 $0xFFFF6000  }
.LBB2_2:
0x33: {  	[hbm4b:s26+s16] =	stream.strided.scatter [tilespmem:s14], [sflag:$0x4], $0xA000, s17, s16, $0x38;
	[tilespmem:$0x1A400] =	vst v63  }
0x34: {  	s28 =	smov.u32 s24;
	s26 =	smov.u32 s25  }
0x35: {  	p0 =	sne.s32 s24, $0x15400;
	s24 =	sadd.s32 $0x1400, s24;
	_ =	swait.ge [sflag:s21], $0xA000  }
0x36: {  	s28 =	sshra.s32 s28, $0x2;
	[sflag:s21] =	ssyncset.done $0x0  }
0x37: {  	s29 =	sadd.s32 $0x780, s28;
	[sflag:s21] =	ssyncadd.s32 $0xFFFF6000  }
0x38: {  	[tilespmem:s14], [sflag:$0x2] =	stream.indirect.gather [hbm4b:s3+s12], $0x40, s29, s12, $0xb8;
	[tilespmem:$0x1A400] =	vst v63  }
0x39: {  	_ =	swait.ge [sflag:s15], $0xA000  }
0x3a: {  	[sflag:s15] =	ssyncset.done $0x0  }
0x3b: {  	s29 =	sadd.s32 $0xFFFFD800, s25;
	[sflag:s15] =	ssyncadd.s32 $0xFFFF6000  }
0x3c: {  	[hbm4b:s29+s16] =	stream.strided.scatter [tilespmem:s13], [sflag:$0x3], $0xA000, s17, s16, $0x38;
	[tilespmem:$0x1A400] =	vst v63  }
0x3d: {  	_ =	swait.ge [sflag:s18], $0xA000  }
0x3e: {  	[sflag:s18] =	ssyncset.done $0x0  }
.Ltmp0:
0x3f: {  	s28 =	sadd.s32 $0xA00, s28;
	[sflag:s18] =	ssyncadd.s32 $0xFFFF6000;
	(pc) =	sbr.rel @p0 .LBB2_2-.Ltmp0, $4  }
0x40: {  	[tilespmem:s13], [sflag:$0x1] =	stream.indirect.gather [hbm4b:s3+s12], $0x40, s28, s12, $0xb8;
	[tilespmem:$0x1A400] =	vst v63  }
0x41: {  	_ =	swait.ge [sflag:s20], $0xA000  }
0x42: {  	[sflag:s20] =	ssyncset.done $0x0  }
0x43: {  	s25 =	sadd.s32 $0x5000, s25;
	[sflag:s20] =	ssyncadd.s32 $0xFFFF6000  }
0x44: {  	[hbm4b:s26+s16] =	stream.strided.scatter [tilespmem:s14], [sflag:$0x4], $0xA000, s17, s16, $0x38;
	[tilespmem:$0x1A400] =	vst v63  }
0x45: {  	_ =	swait.ge [sflag:s21], $0xA000  }
0x46: {  	[sflag:s21] =	ssyncset.done $0x0  }
0x47: {  	[sflag:s21] =	ssyncadd.s32 $0xFFFF6000  }
0x48: {  	[tilespmem:s14], [sflag:$0x2] =	stream.indirect.gather [hbm4b:s3+s12], $0x40, s22, s12, $0xb8;
	[tilespmem:$0x1A400] =	vst v63  }
0x49: {  	_ =	swait.ge [sflag:s15], $0xA000  }
0x4a: {  	[sflag:s15] =	ssyncset.done $0x0  }
0x4b: {  	[sflag:s15] =	ssyncadd.s32 $0xFFFF6000  }
0x4c: {  	[hbm4b:s8+s16] =	stream.strided.scatter [tilespmem:s13], [sflag:$0x3], $0xA000, s17, s16, $0x38;
	[tilespmem:$0x1A400] =	vst v63  }
0x4d: {  	_ =	swait.ge [sflag:s18], $0xA000  }
0x4e: {  	[sflag:s18] =	ssyncset.done $0x0  }
0x4f: {  	[sflag:s18] =	ssyncadd.s32 $0xFFFF6000  }
0x50: {  	s23 =	sadd.s32 $0x1, s23;
	_ =	swait.ge [sflag:s20], $0xA000  }
0x51: {  	p0 =	sne.s32 s23, s5;
	[sflag:s20] =	ssyncset.done $0x0  }
.Ltmp1:
0x52: {  	[sflag:s20] =	ssyncadd.s32 $0xFFFF6000;
	(pc) =	sbr.rel @p0 .LBB2_1-.Ltmp1, $4  }
0x53: {  	[hbm4b:s9+s16] =	stream.strided.scatter [tilespmem:s14], [sflag:$0x4], $0xA000, s17, s16, $0x38;
	[tilespmem:$0x1A400] =	vst v63  }
0x54: {  	_ =	swait.ge [sflag:s21], $0xA000  }
0x55: {  	[sflag:s21] =	ssyncset.done $0x0  }
0x56: {  	[sflag:s21] =	ssyncadd.s32 $0xFFFF6000  }
0x57: {  	_ =	sfence.sel $0x180000  }
0x58: {  	[bflag:$0x0] =	sbarrier.arrive $0xFFFF  }
0x59: {  	p0 =	sne.s32 s1, $0x0;
	_ =	strace $0x9000004A  }
0x5a: {  	s0 =	sadd.s32 @!p0 $0x100000, s0;
	[bflag:$0x2] =	sbarrier.arrive $0xFFFF  }
0x5b: {  	[sflag:s0] =	ssyncadd.tile.s32 @!p0 $0x1;
	_ =	shalt  }
.Lfunc_end2:
_tile_overlayer_lowered:
.L_overlay_start_2:
0x5c: {  	(tag) =	ssettag $0x2  }
0x5d: {  	s0 =	rddreg [dreg:$0x0];
	s2 =	stileid.u32  }
0x5e: {  	s1 =	rddreg [dreg:$0x1];
	p0 =	sne.s32 s2, $0x0  }
0x5f: {  	s3 =	rddreg [dreg:$0x2];
	[bflag:$0x3] =	sbarrier.arrive $0xFFFF;
	s2 =	simm.s32 @!p0 $0x1C05  }
0x60: {  	[timem:s3], [sflag:s2] =	dma.local @!p0 [hbm:s0], s1  }
0x61: {  	s0 =	simm.s32 @!p0 $0x5  }
0x62: {  	_ =	swait.ge @!p0 [sflag:s0], s1  }
0x63: {  	s1 =	ssub.s32 @!p0 $0x0, s1;
	[sflag:s0] =	ssyncset.done @!p0 $0x0  }
0x64: {  	[sflag:s0] =	ssyncadd.s32 @!p0 s1  }
0x65: {  	[bflag:$0x3] =	sbarrier.arrive $0xFFFF  }
0x66: {  	_ =	shalt  }

// kernel: sparse-core-data-format-call.cloned.1.call-start
scs
called_computation_lowered:
.L_overlay_start_0:
0x0: {  	s2 =	sld [smem:$0x3FD9]  }
0x1: {  	s3 =	sld [smem:$0x3FFE];
	_ =	sdelay $0x1  }
0x2: {  	s1 =	srdreg.scid  }
0x3: {  	s0 =	sand.u32 $0x1, s1  }
0x4: {  	s18 =	sshll.u32 s0, $0xA;
	s2 =	sadd.s32 s3, s2  }
0x5: {  	s2 =	sadd.s32 s2, s18  }
0x6: {  	[smem:$0x3FC6] =	sst s2  }
0x7: {  	_ = 	snop  }
0x8: {  	s2 =	sld [smem:$0x3FD0];
	(tm) =	ssettm $0x1  }
0x9: {  	s19 =	sld [smem:$0x3FFB];
	_ =	sdelay $0x3  }
0xa: {  	_ =	strace s19  }
0xb: {  	s3 =	sld [smem:$0x3FFC];
	_ =	sdelay $0x3  }
0xc: {  	_ =	strace s3  }
0xd: {  	s3 =	sld [smem:$0x3FFD];
	_ =	sdelay $0x3  }
0xe: {  	_ =	strace s3  }
0xf: {  	_ =	strace $0x8FFFFFFF  }
0x10: {  	s20 =	sld [smem:$0x3FDB];
	_ =	sdelay $0x1  }
0x11: {  	s4 =	simm.s32 $_scs_section_size  }
0x12: {  	s5 =	simm.s32 $_size__tile_overlayer_lowered;
	s6 =	simm.s32 $_tile_overlayer_lowered  }
0x13: {  	s23 =	simm.s32 $0x1BFF;
	s22 =	sshll.u32 s6, $0x1;
	s3 =	sadd.s32 s4, s20  }
0x14: {  	s7 =	simm.s32 $0x0;
	s21 =	sshll.u32 s5, $0x1;
	s5 =	sadd.s32 s22, s3  }
0x15: {  	[timem:s7], [sflag:s23] =	dma.local [hbm:s5], s21  }
0x16: {  	_ =	swait.ge [sflag:s23], s21  }
0x17: {  	s4 =	ssub.s32 $0x0, s21;
	[sflag:s23] =	ssyncset.done $0x0  }
0x18: {  	[sflag:s23] =	ssyncadd.s32 s4;
	_ =	sdelay $0x1  }
0x19: {  	s24 =	simm.s32 $0x1B8B  }
0x1a: {  	_ =	swait.ge [sflag:s24], $0x1  }
0x1b: {  	[sflag:s24] =	ssyncset.done $0x0  }
0x1c: {  	s26 =	simm.s32 $0x1B8E;
	s25 =	sld [smem:$0x3FFE];
	[sflag:s24] =	ssyncadd.s32 $0xFFFFFFFF  }
0x1d: {  	s27 =	simm.s32 $execute0_lowered;
	[smem:$0x3FD2] =	sst s26  }
0x1e: {  	s5 =	sshll.u32 s27, $0x1;
	_ =	strace $0x8000004C;
	[dreg:$0x1] =	wrdreg $0xFFFFFFFF  }
0x1f: {  	s28 =	simm.s32 $_size_execute0_lowered;
	s3 =	sadd.s32 s3, s5;
	[dreg:$0x0] =	wrdreg $0x0  }
0x20: {  	s5 =	sshll.u32 s28, $0x1;
	[dreg:$0x2] =	wrdreg s3  }
0x21: {  	[dreg:$0x3] =	wrdreg s5  }
0x22: {  	[dreg:$0x4] =	wrdreg $0xC0  }
0x23: {  	_ =	task [dreg:s7], $0x5FFFF  }
0x24: {  	[dreg:$0x1] =	wrdreg $0xFFFFFFFF  }
0x25: {  	[dreg:$0x0] =	wrdreg $0x60  }
0x26: {  	[dreg:$0x2] =	wrdreg s25  }
0x27: {  	[dreg:$0x3] =	wrdreg s2  }
0x28: {  	[dreg:$0x4] =	wrdreg $0x9  }
0x29: {  	_ =	task.clear_ibuf [dreg:s7], $0x5FFFF;
	_ =	strace $0x9000004C  }
0x2a: {  	s29 =	simm.s32 $0x9;
	_ =	strace $0x8000004E  }
0x2b: {  	_ =	swait.ge [sflag:s29], $0x1  }
0x2c: {  	[sflag:s29] =	ssyncadd.s32 $0xFFFFFFFF  }
0x2d: {  	_ =	strace $0x9000004E  }
0x2e: {  	_ =	sfence  }
0x2f: {  	s30 =	sld [smem:$0x0];
	_ =	sdelay $0x2  }
0x30: {  	s31 =	sshll.u32 s1, $0xD;
	s1 =	sshrl.u32 s1, $0x2  }
0x31: {  	s3 =	sand.u32 $0x4000, s31;
	s1 =	sadd.s32 s1, s30  }
0x32: {  	s0 =	sor.u32 s3, s0;
	s1 =	sshll.u32 s1, $0x11  }
0x33: {  	s0 =	sor.u32 s1, s0  }
0x34: {  	s0 =	sadd.s32 $0x8F2B, s0  }
0x35: {  	[sflag:s0] =	ssyncadd.remote.s32 $0x1  }
0x36: {  	_ =	sfence.sel $0xFFFF  }
0x37: {  	[dreg:$0x0] =	wrdreg $0xFFFFFFFF;
	(pc) =	sbr.abs _section_cstart, $3  }
0x38: {  	[dreg:$0x1] =	wrdreg $0xFFFFFFFF  }
0x39: {  	_ =	task.clear_ibuf [dreg:s7], $0x2FFFF;
	_ =	strace $0x9FFFFFFF  }
0x3a: {  	(tm) =	ssettm $0x7FFFFFFF  }
0x3b: {  	_ =	shalt  }
tec
execute0_lowered:
.L_overlay_start_1:
0x0: {  	(tag) =	ssettag $0x1  }
0x1: {  	s0 =	srdreg.scid  }
0x2: {  	s1 =	sshll.u32 s0, $0x4  }
0x3: {  	s0 =	stileid.u32;
	s1 =	sand.u32 $0x10, s1  }
0x4: {  	s1 =	sor.u32 s0, s1  }
0x5: {  	s6 =	rddreg [dreg:$0x0];
	s4 =	simm.s32 $0x1;
	s2 =	sshll.u32 s1, $0x7  }
0x6: {  	s7 =	simm.s32 $0x2;
	s12 =	simm.s32 $0x0;
	s1 =	ssub.s32 $0x1000, s2  }
0x7: {  	s8 =	simm.s32 $0x8000;
	s13 =	simm.s32 $0x0;
	s3 =	sand.u32 $0xF80, s1  }
0x8: {  	s9 =	simm.s32 $0x0;
	s5 =	sshrl.u32 s1, $0xC;
	p0 =	sne.s32 s3, $0x0  }
.Ltmp0:
0x9: {  	s1 =	rddreg [dreg:$0x2];
	s4 =	simm.s32 @!p0 $0x0;
	(pc) =	sbr.rel .LBB1_1-.Ltmp0, $4  }
0xa: {  	s11 =	simm.s32 $0x0;
	s3 =	rddreg [dreg:$0x1];
	s5 =	sadd.s32 s4, s5  }
0xb: {  	_ =	strace $0x8000004D;
	s4 =	simm.s32 $0x1;
	s5 =	smul.u32 $0xC8, s5  }
0xc: {  	s6 =	sadd.s32 $0x1200, s6;
	s10 =	smov.u32 s2;
	[sflag:s4] =	ssyncpa.u1 $0x0  }
0xd: {  	p0 =	por $0x0, $0x0;
	[sflag:s7] =	ssyncpa.u1 $0x0;
	s7 =	sor.u32 $0x1, s5  }
.LBB1_4:
0xe: {  	s16 =	sshll.u32 s13, $0x3;
	s17 =	sand.u32 $0x78, s13  }
0xf: {  	s30 =	sand.u32 $0x7E00, s13;
	s12 =	sshll.u32 s12, $0xF;
	s16 =	sand.u32 $0xC00, s16  }
0x10: {  	[tilespmem:s15+$0x810 ss:$0x81] =	vst.msk $0xffff, v2;
	s31 =	sand.u32 $0x7, s13;
	s16 =	sor.u32 s17, s16;
	s17 =	sadd.s32 s3, s30  }
0x11: {  	[tilespmem:s15+$0x1020 ss:$0x81] =	vst.msk $0xffff, v0;
	s13 =	sshll.u32 s31, $0x12;
	s12 =	sadd.s32 s12, s17;
	s16 =	sshrl.u32 s16, $0x3  }
0x12: {  	[tilespmem:s15+$0x0 ss:$0x81] =	vst.msk $0xffff, v1;
	s13 =	sor.u32 $0x400, s13;
	s12 =	sadd.s32 s16, s12  }
0x13: {  	[hbm4b:s12+s13] =	stream.strided.scatter [tilespmem:s14], [sflag:$0x2], $0x2000, s8, s13, $0x20;
	[tilespmem:$0x8080] =	vst v63  }
.LBB1_5:
0x14: {  	s14 =	sadd.s32 $0x1, s9  }
0x15: {  	s12 =	sadd.s32 $0x1000, s10;
	s16 =	smov.u32 s10;
	p2 =	sgt.s32 s14, $0xC7  }
0x16: {  	s16 =	smov.u32 @p2 s12  }
0x17: {  	s14 =	simm.s32 @p2 $0x0;
	p2 =	sgt.s32 s16, $0xFFF  }
0x18: {  	s16 =	smov.u32 @p2 s2;
	p2 =	sne.s32 s11, s7  }
.Ltmp1:
0x19: {  	p1 =	slt.u32 s11, $0x2;
	(pc) =	sbr.rel @!p2 .LBB1_6-.Ltmp1, $4  }
0x1a: {  	s15 =	simm.s32 @!p1 $0x2  }
0x1b: {  	s13 =	smov.u32 s10;
	p0 =	por !p0, !p0;
	_ =	swait.ge @!p1 [sflag:s15], $0x2000  }
0x1c: {  	s12 =	smov.u32 s9;
	[sflag:s15] =	ssyncset.done @!p1 $0x0;
	s9 =	smov.u32 s14  }
0x1d: {  	s11 =	sadd.s32 $0x1, s11;
	[sflag:s15] =	ssyncadd.s32 @!p1 $0xFFFFE000;
	s10 =	smov.u32 s16  }
.LBB1_1:
0x1e: {  	p1 =	sge.u32 s11, s5  }
0x1f: {  	s14 =	sand.u32 @!p1 $0x1FFFFFF, s9  }
0x20: {  	s15 =	smulhi.u32 @!p1 $0x147AE15, s14;
	_ =	sdelay $0x1  }
0x21: {  	s15 =	smul.u32 @!p1 $0xC8, s15  }
0x22: {  	s16 =	sxor.u32 @!p1 $0xFFFFFFFF, s11;
	s17 =	smul.u32 @!p1 $0xC80, s10  }
0x23: {  	s31 =	sadd.s32 $0xFFFFFFFF, s11;
	s16 =	sshll.u32 @!p1 s16, $0xD;
	s14 =	ssub.s32 @!p1 s14, s15  }
0x24: {  	s15 =	sand.u32 @!p1 $0x2000, s16;
	s16 =	sadd.s32 @!p1 s6, s17;
	s14 =	sshll.u32 @!p1 s14, $0x4  }
0x25: {  	s17 =	simm.s32 @!p1 $0x6400;
	s14 =	sadd.s32 @!p1 s14, s16;
	s16 =	simm.s32 @!p1 $0x40  }
0x26: {  	[tilespmem:s15], [sflag:$0x1] =	stream.strided.gather @!p1 [hbm4b:s14+s16], $0x2000, s17, s16, $0x38;
	[tilespmem:$0x8080] =	vst v63  }
0x27: {  	p1 =	sge.u32 s31, s5  }
.Ltmp2:
0x28: {  	_ = 	snop;
	(pc) =	sbr.rel @p1 .LBB1_5-.Ltmp2, $1  }
0x29: {  	_ =	sdelay $0x3  }
0x2a: {  	s14 =	simm.s32 $0x1  }
0x2b: {  	_ =	swait.ge [sflag:s4], $0x2000;
	s14 =	simm.s32 @!p0 $0x0  }
0x2c: {  	[sflag:s4] =	ssyncset.done $0x0;
	s15 =	sshll.u32 s14, $0xD  }
0x2d: {  	[sflag:s4] =	ssyncadd.s32 $0xFFFFE000;
	s18 =	sor.u32 $0x20, s15  }
0x2e: {  	s14 =	smul.u32 $0x8100, s14;
	v3 =	vld [tilespmem:s18+$0x10]  }
0x2f: {  	s30 =	sand.u32 $0x1, s11;
	v2 =	vld [tilespmem:s18+$0xFFFFFFF0]  }
0x30: {  	s15 =	smul.u32 $0x8100, s30;
	s14 =	sshrl.u32 s14, $0x2;
	v0 =	vld [tilespmem:s18+$0x0]  }
0x31: {  	v1 =	vld [tilespmem:s18+$0xFFFFFFE0];
	s16 =	sor.u32 $0x4000, s14  }
0x32: {  	s31 =	sshrl.u32 s15, $0x2;
	s15 =	sadd.s32 $0x0, s16  }
0x33: {  	s17 =	simm.s32 $0x4;
	s18 =	sadd.s32 $0x40, s18;
	s14 =	sor.u32 $0x4000, s31;
	[tilespmem:s15+$0x1830 ss:$0x81] =	vst.msk $0xffff, v3  }
.LBB1_3:
0x34: {  	v3 =	vld [tilespmem:s18+$0x10];
	p1 =	sne.s32 s17, $0x1FC;
	[tilespmem:s15+$0x810 ss:$0x81] =	vst.msk $0xffff, v2;
	s19 =	smov.u32 s17;
	s17 =	sadd.s32 $0x4, s17  }
.Ltmp3:
0x35: {  	v2 =	vld [tilespmem:s18+$0xFFFFFFF0];
	[tilespmem:s15+$0x1020 ss:$0x81] =	vst.msk $0xffff, v0;
	(pc) =	sbr.rel @p1 .LBB1_3-.Ltmp3, $4  }
0x36: {  	v0 =	vld [tilespmem:s18+$0x0];
	[tilespmem:s15+$0x0 ss:$0x81] =	vst.msk $0xffff, v1  }
0x37: {  	s15 =	sshra.s32 s19, $0x2;
	v1 =	vld [tilespmem:s18+$0xFFFFFFE0]  }
0x38: {  	s15 =	sadd.s32 s15, s16  }
0x39: {  	s18 =	sadd.s32 $0x40, s18;
	[tilespmem:s15+$0x1830 ss:$0x81] =	vst.msk $0xffff, v3  }
.Ltmp4:
0x3a: {  	_ = 	snop;
	(pc) =	sbr.rel .LBB1_4-.Ltmp4, $1  }
0x3b: {  	_ =	sdelay $0x3  }
.LBB1_6:
0x3c: {  	_ =	sfence.sel $0x180000  }
0x3d: {  	s2 =	simm.s32 $0x1;
	[bflag:$0x0] =	sbarrier.arrive $0xFFFF  }
0x3e: {  	s31 =	simm.s32 $0x2;
	[sflag:s2] =	ssyncpa.u1 $0x1  }
0x3f: {  	[sflag:s31] =	ssyncpa.u1 $0x1  }
0x40: {  	p0 =	sne.s32 s0, $0x0;
	_ =	strace $0x9000004D  }
0x41: {  	s0 =	sadd.s32 @!p0 $0x100000, s1;
	[bflag:$0x2] =	sbarrier.arrive $0xFFFF  }
0x42: {  	[sflag:s0] =	ssyncadd.tile.s32 @!p0 $0x1;
	_ =	shalt  }
.Lfunc_end1:
_tile_overlayer_lowered:
.L_overlay_start_2:
0x43: {  	(tag) =	ssettag $0x2  }
0x44: {  	s0 =	rddreg [dreg:$0x0];
	s2 =	stileid.u32  }
0x45: {  	s1 =	rddreg [dreg:$0x1];
	p0 =	sne.s32 s2, $0x0  }
0x46: {  	s3 =	rddreg [dreg:$0x2];
	[bflag:$0x3] =	sbarrier.arrive $0xFFFF;
	s2 =	simm.s32 @!p0 $0x1C01  }
0x47: {  	[timem:s3], [sflag:s2] =	dma.local @!p0 [hbm:s0], s1  }
0x48: {  	s0 =	simm.s32 @!p0 $0x1  }
0x49: {  	_ =	swait.ge @!p0 [sflag:s0], s1  }
0x4a: {  	s1 =	ssub.s32 @!p0 $0x0, s1;
	[sflag:s0] =	ssyncset.done @!p0 $0x0  }
0x4b: {  	[sflag:s0] =	ssyncadd.s32 @!p0 s1  }
0x4c: {  	[bflag:$0x3] =	sbarrier.arrive $0xFFFF  }
0x4d: {  	_ =	shalt  }

</sc_bundles>
